<compile_context>
chip_gen: v7x
topology: tpu7x:2x2x1
jax: 0.10.2.dev20260603
libtpu: 0.0.44.dev20260713+nightly
codegen_flags: <defaults>
</compile_context>

<pallas_src>
import functools

import jax
import jax.numpy as jnp
from jax import lax
from jax.experimental import pallas as pl
from jax.experimental.pallas import tpu as pltpu
from jax.experimental.pallas import tpu_sc as plsc

BATCH = 4096
SEQ = 50
DIM = 32
NC = 2
NS = 16
NW = NC * NS
BBLK = BATCH // NW
WIDE = 128
NROWS = 1000000
NWIDE = NROWS // 4
NBUF = 3
L = 16

UFULL = 244
UEXTRA = 4
TAILW = 7812 * 32
CHUNKW = 128
NCHUNKF = UFULL * 32 // CHUNKW

_mesh = plsc.VectorSubcoreMesh(core_axis_name="c", subcore_axis_name="s")


@functools.partial(
    pl.kernel,
    mesh=_mesh,
    out_type=jax.ShapeDtypeStruct((NWIDE, WIDE), jnp.float32),
    scratch_types=[
        pltpu.VMEM((2 * DIM, 4 * CHUNKW), jnp.float32),
        pltpu.VMEM((2, CHUNKW, WIDE), jnp.float32),
        pltpu.VMEM((64, DIM), jnp.float32),
        pltpu.SemaphoreType.DMA,
        pltpu.SemaphoreType.DMA,
    ],
    compiler_params=pltpu.CompilerParams(needs_layout_passes=False, disable_bounds_checks=True),
)
def _format_kernel(wt_hbm, wtail_hbm, tab_hbm, win_v, blk_v, tail_v, rsem,
                   wsem):
    wid = lax.axis_index("s") * NC + lax.axis_index("c")
    w0 = pl.multiple_of((UFULL * wid + jnp.minimum(wid, UEXTRA)) * 32, 32)
    r0 = pl.multiple_of(w0 * 4, 128)

    iota = lax.iota(jnp.int32, L)
    cq = []
    for mg in range(WIDE // L):
        m16 = iota + (mg * L)
        cq.append((jnp.bitwise_and(m16, 31), lax.shift_right_logical(m16, 5)))

    def read(i, buf):
        off = pl.multiple_of(r0 + i * (4 * CHUNKW), 128)
        pltpu.async_copy(
            wt_hbm.at[:, pl.ds(off, 4 * CHUNKW)],
            win_v.at[pl.ds(buf * DIM, DIM), :], rsem,
        )

    read(0, 0)

    def transpose(buf, tbuf):
        rowvs = [c_vec + buf * DIM for c_vec, _ in cq]
        qvs = [q_vec for _, q_vec in cq]

        @plsc.parallel_loop(0, CHUNKW, unroll=4)
        def jbody(j):
            j4 = j * 4
            vs = []
            for mg in range(WIDE // L):
                vs.append(plsc.load_gather(win_v, [rowvs[mg], qvs[mg] + j4]))
            for mg in range(WIDE // L):
                blk_v[tbuf, j, pl.ds(mg * L, L)] = vs[mg]

    def body(i, carry):
        @pl.when(i + 1 < NCHUNKF)
        def _():
            read(i + 1, lax.rem(i + 1, 2))
        pltpu.make_async_copy(
            wt_hbm.at[:, pl.ds(0, 4 * CHUNKW)],
            win_v.at[pl.ds(0, DIM), :], rsem,
        ).wait()
        b = lax.rem(i, 2)
        @pl.when(i >= 2)
        def _():
            pltpu.make_async_copy(
                blk_v.at[0], tab_hbm.at[pl.ds(0, CHUNKW), :], wsem
            ).wait()
        transpose(b, b)
        pltpu.async_copy(
            blk_v.at[b], tab_hbm.at[pl.ds(w0 + i * CHUNKW, CHUNKW), :], wsem
        )
        return carry

    lax.fori_loop(0, NCHUNKF, body, 0)
    for _ in range(2):
        pltpu.make_async_copy(
            blk_v.at[0], tab_hbm.at[pl.ds(0, CHUNKW), :], wsem
        ).wait()

    @pl.when(wid < UEXTRA)
    def _():
        we = w0 + UFULL * 32
        pltpu.sync_copy(
            wt_hbm.at[:, pl.ds(pl.multiple_of(we * 4, 128), 128)],
            win_v.at[pl.ds(0, DIM), pl.ds(0, 128)],
        )

        def jbody(j, carry):
            j4 = j * 4
            vs = []
            for mg in range(WIDE // L):
                c_vec, q_vec = cq[mg]
                vs.append(plsc.load_gather(win_v, [c_vec, q_vec + j4]))
            for mg in range(WIDE // L):
                blk_v[0, j, pl.ds(mg * L, L)] = vs[mg]
            return carry

        lax.fori_loop(0, 32, jbody, 0)
        pltpu.sync_copy(
            blk_v.at[0, pl.ds(0, 32)], tab_hbm.at[pl.ds(we, 32), :]
        )

    @pl.when(wid == UEXTRA)
    def _():
        pltpu.sync_copy(wtail_hbm, tail_v)

        def jbody(j, carry):
            j4 = j * 4
            vs = []
            for mg in range(WIDE // L):
                c_vec, q_vec = cq[mg]
                vs.append(plsc.load_gather(tail_v, [q_vec + j4, c_vec]))
            for mg in range(WIDE // L):
                blk_v[0, j, pl.ds(mg * L, L)] = vs[mg]
            return carry

        lax.fori_loop(0, 16, jbody, 0)
        pltpu.sync_copy(
            blk_v.at[0, pl.ds(0, 16)], tab_hbm.at[pl.ds(TAILW, 16), :]
        )


@functools.partial(
    pl.kernel,
    mesh=_mesh,
    out_type=jax.ShapeDtypeStruct((SEQ, DIM, BATCH), jnp.float32),
    scratch_types=[
        pltpu.VMEM((SEQ, BBLK), jnp.int32),
        pltpu.VMEM((SEQ, BBLK), jnp.int32),
        pltpu.VMEM((NBUF * BBLK, WIDE), jnp.float32),
        pltpu.VMEM((2, DIM, BBLK), jnp.float32),
        pltpu.SemaphoreType.DMA,
        pltpu.SemaphoreType.DMA,
    ],
    compiler_params=pltpu.CompilerParams(needs_layout_passes=False, disable_bounds_checks=True),
)
def _gather_kernel(xt_hbm, tab_hbm, out_hbm, idx_v, idx4_v, rows_v, trans_v,
                   gsem, wsem):
    wid = lax.axis_index("s") * NC + lax.axis_index("c")
    b0 = pl.multiple_of(wid * BBLK, BBLK)
    pltpu.sync_copy(xt_hbm.at[:, pl.ds(b0, BBLK)], idx_v)

    def idx_body(i, carry):
        r = lax.rem(i, SEQ)
        c = lax.div(i, SEQ) * L
        v = idx_v[r, pl.ds(c, L)]
        idx4_v[r, pl.ds(c, L)] = lax.shift_right_logical(v, 2)
        return carry
    lax.fori_loop(0, SEQ * (BBLK // L), idx_body, 0)

    def rows_at(buf):
        return rows_v.at[pl.ds(pl.multiple_of(buf * BBLK, BBLK), BBLK), :]

    for k in range(NBUF - 1):
        pltpu.async_copy(tab_hbm.at[idx4_v.at[k]], rows_at(k), gsem)

    iota = lax.iota(jnp.int32, L)
    bvecs = [iota + k * L for k in range(BBLK // L)]

    def body(s, carry):
        @pl.when(s < SEQ)
        def _():
            pltpu.async_copy(
                tab_hbm.at[idx4_v.at[s]], rows_at(lax.rem(s, NBUF)), gsem
            )
        o = s - (NBUF - 1)
        pltpu.make_async_copy(
            tab_hbm.at[idx4_v.at[0]], rows_at(0), gsem
        ).wait()
        @pl.when(o >= 2)
        def _():
            pltpu.make_async_copy(
                trans_v.at[0], out_hbm.at[0, :, pl.ds(b0, BBLK)], wsem
            ).wait()
        ob = lax.rem(o, NBUF) * BBLK
        tb = lax.rem(o, 2)

        @plsc.parallel_loop(0, BBLK // L, unroll=2)
        def kbody(k):
            kL = k * L
            q = jnp.bitwise_and(idx_v[o, pl.ds(kL, L)], 3)
            qc = lax.shift_left(q, 5)
            row_vec = iota + kL + ob
            vs = []
            for c in range(DIM):
                vs.append(plsc.load_gather(rows_v, [row_vec, qc + c]))
            for c in range(DIM):
                trans_v[tb, c, pl.ds(kL, L)] = vs[c]
        pltpu.async_copy(
            trans_v.at[tb], out_hbm.at[o, :, pl.ds(b0, BBLK)], wsem
        )
        return carry

    lax.fori_loop(NBUF - 1, SEQ + NBUF - 1, body, 0)

    for _ in range(2):
        pltpu.make_async_copy(
            trans_v.at[0], out_hbm.at[0, :, pl.ds(b0, BBLK)], wsem
        ).wait()


def kernel(x, weight):
    tablin = _format_kernel(weight.T, weight[NROWS - 64:])
    out = _gather_kernel(x.T, tablin)
    return out.transpose(2, 0, 1)

# --- scband reference (transcript-rebuilt; emitter-appended) ---
"""Pipeline reference for scband-mean-embedding-40819369181348 (READ-ONLY COPY).

The authoritative reference and input builder live on the scoring server;
editing this copy changes nothing except your own understanding.
"""

import jax, jax.numpy as jnp
import numpy as np

NUM_EMBEDDINGS = 1000000
EMBEDDING_DIM = 32
BATCH = 4096
SEQ = 50

def setup_inputs(seed: int = 0) -> dict:
    key = jax.random.key(seed)
    k1, k2 = jax.random.split(key)
    x = jax.random.randint(k1, (BATCH, SEQ), 0, NUM_EMBEDDINGS, dtype=jnp.int64 if jax.config.jax_enable_x64 else jnp.int32)
    weight = jax.random.normal(k2, (NUM_EMBEDDINGS, EMBEDDING_DIM), dtype=jnp.float32)
    return {"x": x, "weight": weight}

def reference(x, weight):
    # MeanEmbedding.forward with 2D tokenized input: plain embedding lookup (gather).
    # (one-hot 3D path with softmax would be jax.nn.softmax(x, -1) @ weight; not taken here)
    if x.ndim == 2:
        return jnp.take(weight, x, axis=0)
    elif x.ndim == 3:
        return jax.nn.softmax(x, axis=-1) @ weight
    else:
        raise NotImplementedError

if __name__ == "__main__":
    import jax
    _d = setup_inputs()
    print(jax.jit(kernel)(*tuple(_d.values())))

</pallas_src>

<mosaic_0001>
#map = affine_map<(d0, d1) -> (0, 0)>
module attributes {stable_mosaic.version = 14 : i64} {
  func.func @_format_kernel(%arg0: i32, %arg1: i32, %arg2: memref<32x1000000xf32, #tpu.memory_space<hbm>>, %arg3: memref<64x32xf32, #tpu.memory_space<hbm>>, %arg4: memref<250000x128xf32, #tpu.memory_space<hbm>>, %arg5: memref<64x512xf32, #tpu.memory_space<vmem>>, %arg6: memref<2x128x128xf32, #tpu.memory_space<vmem>>, %arg7: memref<64x32xf32, #tpu.memory_space<vmem>>, %arg8: memref<!tpu.dma_semaphore, #tpu.memory_space<semaphore_mem>>, %arg9: memref<!tpu.dma_semaphore, #tpu.memory_space<semaphore_mem>>) attributes {dimension_semantics = [#tpu.dimension_semantics<core_parallel>, #tpu.dimension_semantics<subcore_parallel>], iteration_bounds = array<i64: 2, 16>, scalar_prefetch = 0 : i64, scratch_operands = 5 : i64, tpu.core_type = #tpu.core_type<sc_vector_subcore>, window_params = [{transform_indices = #map}, {transform_indices = #map}, {transform_indices = #map}]} {
    %mul3A = arith.constant 2 : i32
    %mul3A_0 = arith.muli %arg1, %mul3A : i32
    %add3A = arith.addi %mul3A_0, %arg0 : i32
    %mul3A_1 = arith.constant 244 : i32
    %mul3A_2 = arith.muli %mul3A_1, %add3A : i32
    %min3A = arith.constant 4 : i32
    %min3A_3 = arith.minsi %add3A, %min3A : i32
    %add3A_4 = arith.addi %mul3A_2, %min3A_3 : i32
    %mul3A_5 = arith.constant 32 : i32
    %mul3A_6 = arith.muli %add3A_4, %mul3A_5 : i32
    %multiple_of3A = tpu.assume_multiple %mul3A_6, 32 : i32
    %mul3A_7 = arith.constant 4 : i32
    %mul3A_8 = arith.muli %multiple_of3A, %mul3A_7 : i32
    %multiple_of3A_9 = tpu.assume_multiple %mul3A_8, 128 : i32
    %iota3A = tpu.iota {dimensions = array<i32: 0>} : vector<16xi32>
    %add3A_10 = arith.constant 0 : i32
    %add3A_11 = vector.broadcast %add3A_10 : i32 to vector<16xi32>
    %add3A_12 = arith.addi %iota3A, %add3A_11 : vector<16xi32>
    %and3A = arith.constant 31 : i32
    %and3A_13 = vector.broadcast %and3A : i32 to vector<16xi32>
    %and3A_14 = arith.andi %add3A_12, %and3A_13 : vector<16xi32>
    %shift_right_logical3A = arith.constant 5 : i32
    %shift_right_logical3A_15 = vector.broadcast %shift_right_logical3A : i32 to vector<16xi32>
    %shift_right_logical3A_16 = arith.shrui %add3A_12, %shift_right_logical3A_15 : vector<16xi32>
    %add3A_17 = arith.constant 16 : i32
    %add3A_18 = vector.broadcast %add3A_17 : i32 to vector<16xi32>
    %add3A_19 = arith.addi %iota3A, %add3A_18 : vector<16xi32>
    %and3A_20 = arith.constant 31 : i32
    %and3A_21 = vector.broadcast %and3A_20 : i32 to vector<16xi32>
    %and3A_22 = arith.andi %add3A_19, %and3A_21 : vector<16xi32>
    %shift_right_logical3A_23 = arith.constant 5 : i32
    %shift_right_logical3A_24 = vector.broadcast %shift_right_logical3A_23 : i32 to vector<16xi32>
    %shift_right_logical3A_25 = arith.shrui %add3A_19, %shift_right_logical3A_24 : vector<16xi32>
    %add3A_26 = arith.constant 32 : i32
    %add3A_27 = vector.broadcast %add3A_26 : i32 to vector<16xi32>
    %add3A_28 = arith.addi %iota3A, %add3A_27 : vector<16xi32>
    %and3A_29 = arith.constant 31 : i32
    %and3A_30 = vector.broadcast %and3A_29 : i32 to vector<16xi32>
    %and3A_31 = arith.andi %add3A_28, %and3A_30 : vector<16xi32>
    %shift_right_logical3A_32 = arith.constant 5 : i32
    %shift_right_logical3A_33 = vector.broadcast %shift_right_logical3A_32 : i32 to vector<16xi32>
    %shift_right_logical3A_34 = arith.shrui %add3A_28, %shift_right_logical3A_33 : vector<16xi32>
    %add3A_35 = arith.constant 48 : i32
    %add3A_36 = vector.broadcast %add3A_35 : i32 to vector<16xi32>
    %add3A_37 = arith.addi %iota3A, %add3A_36 : vector<16xi32>
    %and3A_38 = arith.constant 31 : i32
    %and3A_39 = vector.broadcast %and3A_38 : i32 to vector<16xi32>
    %and3A_40 = arith.andi %add3A_37, %and3A_39 : vector<16xi32>
    %shift_right_logical3A_41 = arith.constant 5 : i32
    %shift_right_logical3A_42 = vector.broadcast %shift_right_logical3A_41 : i32 to vector<16xi32>
    %shift_right_logical3A_43 = arith.shrui %add3A_37, %shift_right_logical3A_42 : vector<16xi32>
    %add3A_44 = arith.constant 64 : i32
    %add3A_45 = vector.broadcast %add3A_44 : i32 to vector<16xi32>
    %add3A_46 = arith.addi %iota3A, %add3A_45 : vector<16xi32>
    %and3A_47 = arith.constant 31 : i32
    %and3A_48 = vector.broadcast %and3A_47 : i32 to vector<16xi32>
    %and3A_49 = arith.andi %add3A_46, %and3A_48 : vector<16xi32>
    %shift_right_logical3A_50 = arith.constant 5 : i32
    %shift_right_logical3A_51 = vector.broadcast %shift_right_logical3A_50 : i32 to vector<16xi32>
    %shift_right_logical3A_52 = arith.shrui %add3A_46, %shift_right_logical3A_51 : vector<16xi32>
    %add3A_53 = arith.constant 80 : i32
    %add3A_54 = vector.broadcast %add3A_53 : i32 to vector<16xi32>
    %add3A_55 = arith.addi %iota3A, %add3A_54 : vector<16xi32>
    %and3A_56 = arith.constant 31 : i32
    %and3A_57 = vector.broadcast %and3A_56 : i32 to vector<16xi32>
    %and3A_58 = arith.andi %add3A_55, %and3A_57 : vector<16xi32>
    %shift_right_logical3A_59 = arith.constant 5 : i32
    %shift_right_logical3A_60 = vector.broadcast %shift_right_logical3A_59 : i32 to vector<16xi32>
    %shift_right_logical3A_61 = arith.shrui %add3A_55, %shift_right_logical3A_60 : vector<16xi32>
    %add3A_62 = arith.constant 96 : i32
    %add3A_63 = vector.broadcast %add3A_62 : i32 to vector<16xi32>
    %add3A_64 = arith.addi %iota3A, %add3A_63 : vector<16xi32>
    %and3A_65 = arith.constant 31 : i32
    %and3A_66 = vector.broadcast %and3A_65 : i32 to vector<16xi32>
    %and3A_67 = arith.andi %add3A_64, %and3A_66 : vector<16xi32>
    %shift_right_logical3A_68 = arith.constant 5 : i32
    %shift_right_logical3A_69 = vector.broadcast %shift_right_logical3A_68 : i32 to vector<16xi32>
    %shift_right_logical3A_70 = arith.shrui %add3A_64, %shift_right_logical3A_69 : vector<16xi32>
    %add3A_71 = arith.constant 112 : i32
    %add3A_72 = vector.broadcast %add3A_71 : i32 to vector<16xi32>
    %add3A_73 = arith.addi %iota3A, %add3A_72 : vector<16xi32>
    %and3A_74 = arith.constant 31 : i32
    %and3A_75 = vector.broadcast %and3A_74 : i32 to vector<16xi32>
    %and3A_76 = arith.andi %add3A_73, %and3A_75 : vector<16xi32>
    %shift_right_logical3A_77 = arith.constant 5 : i32
    %shift_right_logical3A_78 = vector.broadcast %shift_right_logical3A_77 : i32 to vector<16xi32>
    %shift_right_logical3A_79 = arith.shrui %add3A_73, %shift_right_logical3A_78 : vector<16xi32>
    %add3A_80 = arith.constant 0 : i32
    %add3A_81 = arith.addi %multiple_of3A_9, %add3A_80 : i32
    %multiple_of3A_82 = tpu.assume_multiple %add3A_81, 128 : i32
    %dma_start3A = arith.constant 0 : i32
    %dma_start3A_83 = arith.constant 0 : i32
    %dma_start3A_84 = tpu.memref_slice %arg5[%dma_start3A, %dma_start3A_83] : memref<64x512xf32, #tpu.memory_space<vmem>> -> memref<32x512xf32, #tpu.memory_space<vmem>>
    %dma_start3A_85 = arith.constant 0 : i32
    %dma_start3A_86 = tpu.memref_slice %arg2[%dma_start3A_85, %multiple_of3A_82] : memref<32x1000000xf32, #tpu.memory_space<hbm>> -> memref<32x512xf32, #tpu.memory_space<hbm>>
    %dma_start3A_87 = arith.constant 0 : i32
    %dma_start3A_88 = arith.constant 0 : i32
    %dma_start3A_89 = tpu.memref_slice %arg5[%dma_start3A_87, %dma_start3A_88] : memref<64x512xf32, #tpu.memory_space<vmem>> -> memref<32x512xf32, #tpu.memory_space<vmem>>
    %dma_start3A_90 = arith.constant 0 : i32
    %dma_start3A_91 = tpu.memref_slice %arg2[%dma_start3A_90, %multiple_of3A_82] : memref<32x1000000xf32, #tpu.memory_space<hbm>> -> memref<32x512xf32, #tpu.memory_space<hbm>>
    tpu.enqueue_dma source(%dma_start3A_91 : memref<32x512xf32, #tpu.memory_space<hbm>>) target(%dma_start3A_89 : memref<32x512xf32, #tpu.memory_space<vmem>>) target_semaphore(%arg8 : memref<!tpu.dma_semaphore, #tpu.memory_space<semaphore_mem>>)
    %scan3A = arith.constant 0 : i32
    %scan3A_92 = arith.constant 0 : i32
    %scan3A_93 = arith.constant 61 : i32
    %scan3A_94 = arith.addi %scan3A_92, %scan3A_93 : i32
    %scan3A_95 = arith.constant 1 : i32
    scf.for %scan3A_132 = %scan3A_92 to %scan3A_94 step %scan3A_95  : i32 {
      %add3A_133 = arith.constant 1 : i32
      %add3A_134 = arith.addi %scan3A_132, %add3A_133 : i32
      %lt3A_135 = arith.constant 61 : i32
      %lt3A_136 = arith.cmpi slt, %add3A_134, %lt3A_135 : i32
      %convert_element_type3A_137 = arith.extui %lt3A_136 : i1 to i32
      %cond3A_138 = arith.constant 0 : i32
      %cond3A_139 = arith.cmpi ne, %convert_element_type3A_137, %cond3A_138 : i32
      scf.if %cond3A_139 {
        %add3A_206 = arith.constant 1 : i32
        %add3A_207 = arith.addi %scan3A_132, %add3A_206 : i32
        %add3A_208 = arith.constant 1 : i32
        %add3A_209 = arith.addi %scan3A_132, %add3A_208 : i32
        %rem3A_210 = arith.constant 2 : i32
        %rem3A_211 = arith.remsi %add3A_209, %rem3A_210 : i32
        %mul3A_212 = arith.constant 512 : i32
        %mul3A_213 = arith.muli %add3A_207, %mul3A_212 : i32
        %add3A_214 = arith.addi %multiple_of3A_9, %mul3A_213 : i32
        %multiple_of3A_215 = tpu.assume_multiple %add3A_214, 128 : i32
        %mul3A_216 = arith.constant 32 : i32
        %mul3A_217 = arith.muli %rem3A_211, %mul3A_216 : i32
        %dma_start3A_218 = arith.constant 0 : i32
        %dma_start3A_219 = tpu.memref_slice %arg5[%mul3A_217, %dma_start3A_218] : memref<64x512xf32, #tpu.memory_space<vmem>> -> memref<32x512xf32, #tpu.memory_space<vmem>>
        %dma_start3A_220 = arith.constant 0 : i32
        %dma_start3A_221 = tpu.memref_slice %arg2[%dma_start3A_220, %multiple_of3A_215] : memref<32x1000000xf32, #tpu.memory_space<hbm>> -> memref<32x512xf32, #tpu.memory_space<hbm>>
        %dma_start3A_222 = arith.constant 0 : i32
        %dma_start3A_223 = tpu.memref_slice %arg5[%mul3A_217, %dma_start3A_222] : memref<64x512xf32, #tpu.memory_space<vmem>> -> memref<32x512xf32, #tpu.memory_space<vmem>>
        %dma_start3A_224 = arith.constant 0 : i32
        %dma_start3A_225 = tpu.memref_slice %arg2[%dma_start3A_224, %multiple_of3A_215] : memref<32x1000000xf32, #tpu.memory_space<hbm>> -> memref<32x512xf32, #tpu.memory_space<hbm>>
        tpu.enqueue_dma source(%dma_start3A_225 : memref<32x512xf32, #tpu.memory_space<hbm>>) target(%dma_start3A_223 : memref<32x512xf32, #tpu.memory_space<vmem>>) target_semaphore(%arg8 : memref<!tpu.dma_semaphore, #tpu.memory_space<semaphore_mem>>)
      } else {
      }
      %dma_wait3A_140 = arith.constant 0 : i32
      %dma_wait3A_141 = arith.constant 0 : i32
      %dma_wait3A_142 = tpu.memref_slice %arg5[%dma_wait3A_140, %dma_wait3A_141] : memref<64x512xf32, #tpu.memory_space<vmem>> -> memref<32x512xf32, #tpu.memory_space<vmem>>
      %dma_wait3A_143 = arith.constant 0 : i32
      %dma_wait3A_144 = arith.constant 0 : i32
      %dma_wait3A_145 = tpu.memref_slice %arg2[%dma_wait3A_143, %dma_wait3A_144] : memref<32x1000000xf32, #tpu.memory_space<hbm>> -> memref<32x512xf32, #tpu.memory_space<hbm>>
      %dma_wait3A_146 = arith.constant 0 : i32
      %dma_wait3A_147 = arith.constant 0 : i32
      %dma_wait3A_148 = tpu.memref_slice %arg5[%dma_wait3A_146, %dma_wait3A_147] : memref<64x512xf32, #tpu.memory_space<vmem>> -> memref<32x512xf32, #tpu.memory_space<vmem>>
      %dma_wait3A_149 = arith.constant 0 : i32
      %dma_wait3A_150 = arith.constant 0 : i32
      %dma_wait3A_151 = tpu.memref_slice %arg2[%dma_wait3A_149, %dma_wait3A_150] : memref<32x1000000xf32, #tpu.memory_space<hbm>> -> memref<32x512xf32, #tpu.memory_space<hbm>>
      tpu.wait_dma2 semaphore(%arg8 : memref<!tpu.dma_semaphore, #tpu.memory_space<semaphore_mem>>) src(%dma_wait3A_151 : memref<32x512xf32, #tpu.memory_space<hbm>>) dst(%dma_wait3A_148 : memref<32x512xf32, #tpu.memory_space<vmem>>)
      %rem3A = arith.constant 2 : i32
      %rem3A_152 = arith.remsi %scan3A_132, %rem3A : i32
      %ge3A = arith.constant 2 : i32
      %ge3A_153 = arith.cmpi sge, %scan3A_132, %ge3A : i32
      %convert_element_type3A_154 = arith.extui %ge3A_153 : i1 to i32
      %cond3A_155 = arith.constant 0 : i32
      %cond3A_156 = arith.cmpi ne, %convert_element_type3A_154, %cond3A_155 : i32
      scf.if %cond3A_156 {
        %dma_wait3A_206 = arith.constant 0 : i32
        %dma_wait3A_207 = arith.constant 0 : i32
        %dma_wait3A_208 = arith.constant 0 : i32
        %dma_wait3A_209 = tpu.memref_slice %arg6[%dma_wait3A_206, %dma_wait3A_207, %dma_wait3A_208] : memref<2x128x128xf32, #tpu.memory_space<vmem>> -> memref<1x128x128xf32, #tpu.memory_space<vmem>>
        %dma_wait3A_210 = tpu.memref_squeeze %dma_wait3A_209 : memref<1x128x128xf32, #tpu.memory_space<vmem>> -> memref<128x128xf32, #tpu.memory_space<vmem>>
        %dma_wait3A_211 = arith.constant 0 : i32
        %dma_wait3A_212 = arith.constant 0 : i32
        %dma_wait3A_213 = tpu.memref_slice %arg4[%dma_wait3A_211, %dma_wait3A_212] : memref<250000x128xf32, #tpu.memory_space<hbm>> -> memref<128x128xf32, #tpu.memory_space<hbm>>
        %dma_wait3A_214 = arith.constant 0 : i32
        %dma_wait3A_215 = arith.constant 0 : i32
        %dma_wait3A_216 = tpu.memref_slice %arg4[%dma_wait3A_214, %dma_wait3A_215] : memref<250000x128xf32, #tpu.memory_space<hbm>> -> memref<128x128xf32, #tpu.memory_space<hbm>>
        %dma_wait3A_217 = arith.constant 0 : i32
        %dma_wait3A_218 = arith.constant 0 : i32
        %dma_wait3A_219 = tpu.memref_slice %arg6[%dma_wait3A_206, %dma_wait3A_217, %dma_wait3A_218] : memref<2x128x128xf32, #tpu.memory_space<vmem>> -> memref<1x128x128xf32, #tpu.memory_space<vmem>>
        %dma_wait3A_220 = tpu.memref_squeeze %dma_wait3A_219 : memref<1x128x128xf32, #tpu.memory_space<vmem>> -> memref<128x128xf32, #tpu.memory_space<vmem>>
        tpu.wait_dma2 semaphore(%arg9 : memref<!tpu.dma_semaphore, #tpu.memory_space<semaphore_mem>>) src(%dma_wait3A_220 : memref<128x128xf32, #tpu.memory_space<vmem>>) dst(%dma_wait3A_216 : memref<128x128xf32, #tpu.memory_space<hbm>>)
      } else {
      }
      %mul3A_157 = arith.constant 32 : i32
      %mul3A_158 = arith.muli %rem3A_152, %mul3A_157 : i32
      %add3A_159 = vector.broadcast %mul3A_158 : i32 to vector<16xi32>
      %add3A_160 = arith.addi %and3A_14, %add3A_159 : vector<16xi32>
      %mul3A_161 = arith.constant 32 : i32
      %mul3A_162 = arith.muli %rem3A_152, %mul3A_161 : i32
      %add3A_163 = vector.broadcast %mul3A_162 : i32 to vector<16xi32>
      %add3A_164 = arith.addi %and3A_22, %add3A_163 : vector<16xi32>
      %mul3A_165 = arith.constant 32 : i32
      %mul3A_166 = arith.muli %rem3A_152, %mul3A_165 : i32
      %add3A_167 = vector.broadcast %mul3A_166 : i32 to vector<16xi32>
      %add3A_168 = arith.addi %and3A_31, %add3A_167 : vector<16xi32>
      %mul3A_169 = arith.constant 32 : i32
      %mul3A_170 = arith.muli %rem3A_152, %mul3A_169 : i32
      %add3A_171 = vector.broadcast %mul3A_170 : i32 to vector<16xi32>
      %add3A_172 = arith.addi %and3A_40, %add3A_171 : vector<16xi32>
      %mul3A_173 = arith.constant 32 : i32
      %mul3A_174 = arith.muli %rem3A_152, %mul3A_173 : i32
      %add3A_175 = vector.broadcast %mul3A_174 : i32 to vector<16xi32>
      %add3A_176 = arith.addi %and3A_49, %add3A_175 : vector<16xi32>
      %mul3A_177 = arith.constant 32 : i32
      %mul3A_178 = arith.muli %rem3A_152, %mul3A_177 : i32
      %add3A_179 = vector.broadcast %mul3A_178 : i32 to vector<16xi32>
      %add3A_180 = arith.addi %and3A_58, %add3A_179 : vector<16xi32>
      %mul3A_181 = arith.constant 32 : i32
      %mul3A_182 = arith.muli %rem3A_152, %mul3A_181 : i32
      %add3A_183 = vector.broadcast %mul3A_182 : i32 to vector<16xi32>
      %add3A_184 = arith.addi %and3A_67, %add3A_183 : vector<16xi32>
      %mul3A_185 = arith.constant 32 : i32
      %mul3A_186 = arith.muli %rem3A_152, %mul3A_185 : i32
      %add3A_187 = vector.broadcast %mul3A_186 : i32 to vector<16xi32>
      %add3A_188 = arith.addi %and3A_76, %add3A_187 : vector<16xi32>
      %parallel_loop3A = arith.constant 0 : i32
      %parallel_loop3A_189 = arith.constant 128 : i32
      %parallel_loop3A_190 = arith.constant 1 : i32
      scf.for %parallel_loop3A_206 = %parallel_loop3A to %parallel_loop3A_189 step %parallel_loop3A_190  : i32 {
        %parallel_loop3A_207 = arith.constant 4 : i32
        %parallel_loop3A_208 = arith.muli %parallel_loop3A_206, %parallel_loop3A_207 : i32
        %parallel_loop3A_209 = vector.broadcast %parallel_loop3A_208 : i32 to vector<16xi32>
        %parallel_loop3A_210 = arith.addi %shift_right_logical3A_16, %parallel_loop3A_209 : vector<16xi32>
        %parallel_loop3A_211 = tpu.vector_load_idx %arg5[%add3A_160, %parallel_loop3A_210] : memref<64x512xf32, #tpu.memory_space<vmem>>[vector<16xi32>, vector<16xi32>], vector<16xf32>,
        %parallel_loop3A_212 = vector.broadcast %parallel_loop3A_208 : i32 to vector<16xi32>
        %parallel_loop3A_213 = arith.addi %shift_right_logical3A_25, %parallel_loop3A_212 : vector<16xi32>
        %parallel_loop3A_214 = tpu.vector_load_idx %arg5[%add3A_164, %parallel_loop3A_213] : memref<64x512xf32, #tpu.memory_space<vmem>>[vector<16xi32>, vector<16xi32>], vector<16xf32>,
        %parallel_loop3A_215 = vector.broadcast %parallel_loop3A_208 : i32 to vector<16xi32>
        %parallel_loop3A_216 = arith.addi %shift_right_logical3A_34, %parallel_loop3A_215 : vector<16xi32>
        %parallel_loop3A_217 = tpu.vector_load_idx %arg5[%add3A_168, %parallel_loop3A_216] : memref<64x512xf32, #tpu.memory_space<vmem>>[vector<16xi32>, vector<16xi32>], vector<16xf32>,
        %parallel_loop3A_218 = vector.broadcast %parallel_loop3A_208 : i32 to vector<16xi32>
        %parallel_loop3A_219 = arith.addi %shift_right_logical3A_43, %parallel_loop3A_218 : vector<16xi32>
        %parallel_loop3A_220 = tpu.vector_load_idx %arg5[%add3A_172, %parallel_loop3A_219] : memref<64x512xf32, #tpu.memory_space<vmem>>[vector<16xi32>, vector<16xi32>], vector<16xf32>,
        %parallel_loop3A_221 = vector.broadcast %parallel_loop3A_208 : i32 to vector<16xi32>
        %parallel_loop3A_222 = arith.addi %shift_right_logical3A_52, %parallel_loop3A_221 : vector<16xi32>
        %parallel_loop3A_223 = tpu.vector_load_idx %arg5[%add3A_176, %parallel_loop3A_222] : memref<64x512xf32, #tpu.memory_space<vmem>>[vector<16xi32>, vector<16xi32>], vector<16xf32>,
        %parallel_loop3A_224 = vector.broadcast %parallel_loop3A_208 : i32 to vector<16xi32>
        %parallel_loop3A_225 = arith.addi %shift_right_logical3A_61, %parallel_loop3A_224 : vector<16xi32>
        %parallel_loop3A_226 = tpu.vector_load_idx %arg5[%add3A_180, %parallel_loop3A_225] : memref<64x512xf32, #tpu.memory_space<vmem>>[vector<16xi32>, vector<16xi32>], vector<16xf32>,
        %parallel_loop3A_227 = vector.broadcast %parallel_loop3A_208 : i32 to vector<16xi32>
        %parallel_loop3A_228 = arith.addi %shift_right_logical3A_70, %parallel_loop3A_227 : vector<16xi32>
        %parallel_loop3A_229 = tpu.vector_load_idx %arg5[%add3A_184, %parallel_loop3A_228] : memref<64x512xf32, #tpu.memory_space<vmem>>[vector<16xi32>, vector<16xi32>], vector<16xf32>,
        %parallel_loop3A_230 = vector.broadcast %parallel_loop3A_208 : i32 to vector<16xi32>
        %parallel_loop3A_231 = arith.addi %shift_right_logical3A_79, %parallel_loop3A_230 : vector<16xi32>
        %parallel_loop3A_232 = tpu.vector_load_idx %arg5[%add3A_188, %parallel_loop3A_231] : memref<64x512xf32, #tpu.memory_space<vmem>>[vector<16xi32>, vector<16xi32>], vector<16xf32>,
        %parallel_loop3A_233 = arith.index_cast %rem3A_152 : i32 to index
        %parallel_loop3A_234 = arith.index_cast %parallel_loop3A_206 : i32 to index
        %parallel_loop3A_235 = arith.constant 0 : index
        %parallel_loop3A_236 = tpu.vector_load %arg6[%parallel_loop3A_233, %parallel_loop3A_234, %parallel_loop3A_235] {strides = array<i32>} : memref<2x128x128xf32, #tpu.memory_space<vmem>>, vector<16xf32>,
        tpu.vector_store %arg6[%parallel_loop3A_233, %parallel_loop3A_234, %parallel_loop3A_235], %parallel_loop3A_211 {strides = array<i32>} : memref<2x128x128xf32, #tpu.memory_space<vmem>>, vector<16xf32>,
        %parallel_loop3A_237 = arith.index_cast %rem3A_152 : i32 to index
        %parallel_loop3A_238 = arith.index_cast %parallel_loop3A_206 : i32 to index
        %parallel_loop3A_239 = arith.constant 16 : index
        %parallel_loop3A_240 = tpu.vector_load %arg6[%parallel_loop3A_237, %parallel_loop3A_238, %parallel_loop3A_239] {strides = array<i32>} : memref<2x128x128xf32, #tpu.memory_space<vmem>>, vector<16xf32>,
        tpu.vector_store %arg6[%parallel_loop3A_237, %parallel_loop3A_238, %parallel_loop3A_239], %parallel_loop3A_214 {strides = array<i32>} : memref<2x128x128xf32, #tpu.memory_space<vmem>>, vector<16xf32>,
        %parallel_loop3A_241 = arith.index_cast %rem3A_152 : i32 to index
        %parallel_loop3A_242 = arith.index_cast %parallel_loop3A_206 : i32 to index
        %parallel_loop3A_243 = arith.constant 32 : index
        %parallel_loop3A_244 = tpu.vector_load %arg6[%parallel_loop3A_241, %parallel_loop3A_242, %parallel_loop3A_243] {strides = array<i32>} : memref<2x128x128xf32, #tpu.memory_space<vmem>>, vector<16xf32>,
        tpu.vector_store %arg6[%parallel_loop3A_241, %parallel_loop3A_242, %parallel_loop3A_243], %parallel_loop3A_217 {strides = array<i32>} : memref<2x128x128xf32, #tpu.memory_space<vmem>>, vector<16xf32>,
        %parallel_loop3A_245 = arith.index_cast %rem3A_152 : i32 to index
        %parallel_loop3A_246 = arith.index_cast %parallel_loop3A_206 : i32 to index
        %parallel_loop3A_247 = arith.constant 48 : index
        %parallel_loop3A_248 = tpu.vector_load %arg6[%parallel_loop3A_245, %parallel_loop3A_246, %parallel_loop3A_247] {strides = array<i32>} : memref<2x128x128xf32, #tpu.memory_space<vmem>>, vector<16xf32>,
        tpu.vector_store %arg6[%parallel_loop3A_245, %parallel_loop3A_246, %parallel_loop3A_247], %parallel_loop3A_220 {strides = array<i32>} : memref<2x128x128xf32, #tpu.memory_space<vmem>>, vector<16xf32>,
        %parallel_loop3A_249 = arith.index_cast %rem3A_152 : i32 to index
        %parallel_loop3A_250 = arith.index_cast %parallel_loop3A_206 : i32 to index
        %parallel_loop3A_251 = arith.constant 64 : index
        %parallel_loop3A_252 = tpu.vector_load %arg6[%parallel_loop3A_249, %parallel_loop3A_250, %parallel_loop3A_251] {strides = array<i32>} : memref<2x128x128xf32, #tpu.memory_space<vmem>>, vector<16xf32>,
        tpu.vector_store %arg6[%parallel_loop3A_249, %parallel_loop3A_250, %parallel_loop3A_251], %parallel_loop3A_223 {strides = array<i32>} : memref<2x128x128xf32, #tpu.memory_space<vmem>>, vector<16xf32>,
        %parallel_loop3A_253 = arith.index_cast %rem3A_152 : i32 to index
        %parallel_loop3A_254 = arith.index_cast %parallel_loop3A_206 : i32 to index
        %parallel_loop3A_255 = arith.constant 80 : index
        %parallel_loop3A_256 = tpu.vector_load %arg6[%parallel_loop3A_253, %parallel_loop3A_254, %parallel_loop3A_255] {strides = array<i32>} : memref<2x128x128xf32, #tpu.memory_space<vmem>>, vector<16xf32>,
        tpu.vector_store %arg6[%parallel_loop3A_253, %parallel_loop3A_254, %parallel_loop3A_255], %parallel_loop3A_226 {strides = array<i32>} : memref<2x128x128xf32, #tpu.memory_space<vmem>>, vector<16xf32>,
        %parallel_loop3A_257 = arith.index_cast %rem3A_152 : i32 to index
        %parallel_loop3A_258 = arith.index_cast %parallel_loop3A_206 : i32 to index
        %parallel_loop3A_259 = arith.constant 96 : index
        %parallel_loop3A_260 = tpu.vector_load %arg6[%parallel_loop3A_257, %parallel_loop3A_258, %parallel_loop3A_259] {strides = array<i32>} : memref<2x128x128xf32, #tpu.memory_space<vmem>>, vector<16xf32>,
        tpu.vector_store %arg6[%parallel_loop3A_257, %parallel_loop3A_258, %parallel_loop3A_259], %parallel_loop3A_229 {strides = array<i32>} : memref<2x128x128xf32, #tpu.memory_space<vmem>>, vector<16xf32>,
        %parallel_loop3A_261 = arith.index_cast %rem3A_152 : i32 to index
        %parallel_loop3A_262 = arith.index_cast %parallel_loop3A_206 : i32 to index
        %parallel_loop3A_263 = arith.constant 112 : index
        %parallel_loop3A_264 = tpu.vector_load %arg6[%parallel_loop3A_261, %parallel_loop3A_262, %parallel_loop3A_263] {strides = array<i32>} : memref<2x128x128xf32, #tpu.memory_space<vmem>>, vector<16xf32>,
        tpu.vector_store %arg6[%parallel_loop3A_261, %parallel_loop3A_262, %parallel_loop3A_263], %parallel_loop3A_232 {strides = array<i32>} : memref<2x128x128xf32, #tpu.memory_space<vmem>>, vector<16xf32>,
      } {sc.loop_unroll_factor = 4 : i64, sc.parallel_access}
      %mul3A_191 = arith.constant 128 : i32
      %mul3A_192 = arith.muli %scan3A_132, %mul3A_191 : i32
      %add3A_193 = arith.addi %multiple_of3A, %mul3A_192 : i32
      %dma_start3A_194 = arith.constant 0 : i32
      %dma_start3A_195 = arith.constant 0 : i32
      %dma_start3A_196 = tpu.memref_slice %arg6[%rem3A_152, %dma_start3A_194, %dma_start3A_195] : memref<2x128x128xf32, #tpu.memory_space<vmem>> -> memref<1x128x128xf32, #tpu.memory_space<vmem>>
      %dma_start3A_197 = tpu.memref_squeeze %dma_start3A_196 : memref<1x128x128xf32, #tpu.memory_space<vmem>> -> memref<128x128xf32, #tpu.memory_space<vmem>>
      %dma_start3A_198 = arith.constant 0 : i32
      %dma_start3A_199 = tpu.memref_slice %arg4[%add3A_193, %dma_start3A_198] : memref<250000x128xf32, #tpu.memory_space<hbm>> -> memref<128x128xf32, #tpu.memory_space<hbm>>
      %dma_start3A_200 = arith.constant 0 : i32
      %dma_start3A_201 = tpu.memref_slice %arg4[%add3A_193, %dma_start3A_200] : memref<250000x128xf32, #tpu.memory_space<hbm>> -> memref<128x128xf32, #tpu.memory_space<hbm>>
      %dma_start3A_202 = arith.constant 0 : i32
      %dma_start3A_203 = arith.constant 0 : i32
      %dma_start3A_204 = tpu.memref_slice %arg6[%rem3A_152, %dma_start3A_202, %dma_start3A_203] : memref<2x128x128xf32, #tpu.memory_space<vmem>> -> memref<1x128x128xf32, #tpu.memory_space<vmem>>
      %dma_start3A_205 = tpu.memref_squeeze %dma_start3A_204 : memref<1x128x128xf32, #tpu.memory_space<vmem>> -> memref<128x128xf32, #tpu.memory_space<vmem>>
      tpu.enqueue_dma source(%dma_start3A_205 : memref<128x128xf32, #tpu.memory_space<vmem>>) target(%dma_start3A_201 : memref<128x128xf32, #tpu.memory_space<hbm>>) target_semaphore(%arg9 : memref<!tpu.dma_semaphore, #tpu.memory_space<semaphore_mem>>)
    }
    %scan3A_96 = arith.constant 61 : i32
    %dma_wait3A = arith.constant 0 : i32
    %dma_wait3A_97 = arith.constant 0 : i32
    %dma_wait3A_98 = arith.constant 0 : i32
    %dma_wait3A_99 = tpu.memref_slice %arg6[%dma_wait3A, %dma_wait3A_97, %dma_wait3A_98] : memref<2x128x128xf32, #tpu.memory_space<vmem>> -> memref<1x128x128xf32, #tpu.memory_space<vmem>>
    %dma_wait3A_100 = tpu.memref_squeeze %dma_wait3A_99 : memref<1x128x128xf32, #tpu.memory_space<vmem>> -> memref<128x128xf32, #tpu.memory_space<vmem>>
    %dma_wait3A_101 = arith.constant 0 : i32
    %dma_wait3A_102 = arith.constant 0 : i32
    %dma_wait3A_103 = tpu.memref_slice %arg4[%dma_wait3A_101, %dma_wait3A_102] : memref<250000x128xf32, #tpu.memory_space<hbm>> -> memref<128x128xf32, #tpu.memory_space<hbm>>
    %dma_wait3A_104 = arith.constant 0 : i32
    %dma_wait3A_105 = arith.constant 0 : i32
    %dma_wait3A_106 = tpu.memref_slice %arg4[%dma_wait3A_104, %dma_wait3A_105] : memref<250000x128xf32, #tpu.memory_space<hbm>> -> memref<128x128xf32, #tpu.memory_space<hbm>>
    %dma_wait3A_107 = arith.constant 0 : i32
    %dma_wait3A_108 = arith.constant 0 : i32
    %dma_wait3A_109 = tpu.memref_slice %arg6[%dma_wait3A, %dma_wait3A_107, %dma_wait3A_108] : memref<2x128x128xf32, #tpu.memory_space<vmem>> -> memref<1x128x128xf32, #tpu.memory_space<vmem>>
    %dma_wait3A_110 = tpu.memref_squeeze %dma_wait3A_109 : memref<1x128x128xf32, #tpu.memory_space<vmem>> -> memref<128x128xf32, #tpu.memory_space<vmem>>
    tpu.wait_dma2 semaphore(%arg9 : memref<!tpu.dma_semaphore, #tpu.memory_space<semaphore_mem>>) src(%dma_wait3A_110 : memref<128x128xf32, #tpu.memory_space<vmem>>) dst(%dma_wait3A_106 : memref<128x128xf32, #tpu.memory_space<hbm>>)
    %dma_wait3A_111 = arith.constant 0 : i32
    %dma_wait3A_112 = arith.constant 0 : i32
    %dma_wait3A_113 = arith.constant 0 : i32
    %dma_wait3A_114 = tpu.memref_slice %arg6[%dma_wait3A_111, %dma_wait3A_112, %dma_wait3A_113] : memref<2x128x128xf32, #tpu.memory_space<vmem>> -> memref<1x128x128xf32, #tpu.memory_space<vmem>>
    %dma_wait3A_115 = tpu.memref_squeeze %dma_wait3A_114 : memref<1x128x128xf32, #tpu.memory_space<vmem>> -> memref<128x128xf32, #tpu.memory_space<vmem>>
    %dma_wait3A_116 = arith.constant 0 : i32
    %dma_wait3A_117 = arith.constant 0 : i32
    %dma_wait3A_118 = tpu.memref_slice %arg4[%dma_wait3A_116, %dma_wait3A_117] : memref<250000x128xf32, #tpu.memory_space<hbm>> -> memref<128x128xf32, #tpu.memory_space<hbm>>
    %dma_wait3A_119 = arith.constant 0 : i32
    %dma_wait3A_120 = arith.constant 0 : i32
    %dma_wait3A_121 = tpu.memref_slice %arg4[%dma_wait3A_119, %dma_wait3A_120] : memref<250000x128xf32, #tpu.memory_space<hbm>> -> memref<128x128xf32, #tpu.memory_space<hbm>>
    %dma_wait3A_122 = arith.constant 0 : i32
    %dma_wait3A_123 = arith.constant 0 : i32
    %dma_wait3A_124 = tpu.memref_slice %arg6[%dma_wait3A_111, %dma_wait3A_122, %dma_wait3A_123] : memref<2x128x128xf32, #tpu.memory_space<vmem>> -> memref<1x128x128xf32, #tpu.memory_space<vmem>>
    %dma_wait3A_125 = tpu.memref_squeeze %dma_wait3A_124 : memref<1x128x128xf32, #tpu.memory_space<vmem>> -> memref<128x128xf32, #tpu.memory_space<vmem>>
    tpu.wait_dma2 semaphore(%arg9 : memref<!tpu.dma_semaphore, #tpu.memory_space<semaphore_mem>>) src(%dma_wait3A_125 : memref<128x128xf32, #tpu.memory_space<vmem>>) dst(%dma_wait3A_121 : memref<128x128xf32, #tpu.memory_space<hbm>>)
    %lt3A = arith.constant 4 : i32
    %lt3A_126 = arith.cmpi slt, %add3A, %lt3A : i32
    %convert_element_type3A = arith.extui %lt3A_126 : i1 to i32
    %cond3A = arith.constant 0 : i32
    %cond3A_127 = arith.cmpi ne, %convert_element_type3A, %cond3A : i32
    scf.if %cond3A_127 {
      %add3A_132 = arith.constant 7808 : i32
      %add3A_133 = arith.addi %multiple_of3A, %add3A_132 : i32
      %mul3A_134 = arith.constant 4 : i32
      %mul3A_135 = arith.muli %add3A_133, %mul3A_134 : i32
      %multiple_of3A_136 = tpu.assume_multiple %mul3A_135, 128 : i32
      "tpu.region"() ({
        %run_scoped3A_143 = tpu.sem_alloc : memref<!tpu.dma_semaphore, #tpu.memory_space<semaphore_mem>>
        %dma_start3A_144 = arith.constant 0 : i32
        %dma_start3A_145 = arith.constant 0 : i32
        %dma_start3A_146 = tpu.memref_slice %arg5[%dma_start3A_144, %dma_start3A_145] : memref<64x512xf32, #tpu.memory_space<vmem>> -> memref<32x128xf32, #tpu.memory_space<vmem>>
        %dma_start3A_147 = arith.constant 0 : i32
        %dma_start3A_148 = tpu.memref_slice %arg2[%dma_start3A_147, %multiple_of3A_136] : memref<32x1000000xf32, #tpu.memory_space<hbm>> -> memref<32x128xf32, #tpu.memory_space<hbm>>
        %dma_start3A_149 = arith.constant 0 : i32
        %dma_start3A_150 = arith.constant 0 : i32
        %dma_start3A_151 = tpu.memref_slice %arg5[%dma_start3A_149, %dma_start3A_150] : memref<64x512xf32, #tpu.memory_space<vmem>> -> memref<32x128xf32, #tpu.memory_space<vmem>>
        %dma_start3A_152 = arith.constant 0 : i32
        %dma_start3A_153 = tpu.memref_slice %arg2[%dma_start3A_152, %multiple_of3A_136] : memref<32x1000000xf32, #tpu.memory_space<hbm>> -> memref<32x128xf32, #tpu.memory_space<hbm>>
        tpu.enqueue_dma source(%dma_start3A_153 : memref<32x128xf32, #tpu.memory_space<hbm>>) target(%dma_start3A_151 : memref<32x128xf32, #tpu.memory_space<vmem>>) target_semaphore(%run_scoped3A_143 : memref<!tpu.dma_semaphore, #tpu.memory_space<semaphore_mem>>)
        %dma_wait3A_154 = arith.constant 0 : i32
        %dma_wait3A_155 = arith.constant 0 : i32
        %dma_wait3A_156 = tpu.memref_slice %arg5[%dma_wait3A_154, %dma_wait3A_155] : memref<64x512xf32, #tpu.memory_space<vmem>> -> memref<32x128xf32, #tpu.memory_space<vmem>>
        %dma_wait3A_157 = arith.constant 0 : i32
        %dma_wait3A_158 = tpu.memref_slice %arg2[%dma_wait3A_157, %multiple_of3A_136] : memref<32x1000000xf32, #tpu.memory_space<hbm>> -> memref<32x128xf32, #tpu.memory_space<hbm>>
        %dma_wait3A_159 = arith.constant 0 : i32
        %dma_wait3A_160 = arith.constant 0 : i32
        %dma_wait3A_161 = tpu.memref_slice %arg5[%dma_wait3A_159, %dma_wait3A_160] : memref<64x512xf32, #tpu.memory_space<vmem>> -> memref<32x128xf32, #tpu.memory_space<vmem>>
        %dma_wait3A_162 = arith.constant 0 : i32
        %dma_wait3A_163 = tpu.memref_slice %arg2[%dma_wait3A_162, %multiple_of3A_136] : memref<32x1000000xf32, #tpu.memory_space<hbm>> -> memref<32x128xf32, #tpu.memory_space<hbm>>
        tpu.wait_dma2 semaphore(%run_scoped3A_143 : memref<!tpu.dma_semaphore, #tpu.memory_space<semaphore_mem>>) src(%dma_wait3A_163 : memref<32x128xf32, #tpu.memory_space<hbm>>) dst(%dma_wait3A_161 : memref<32x128xf32, #tpu.memory_space<vmem>>)
        tpu.yield
      }) : () -> ()
      %scan3A_137 = arith.constant 0 : i32
      %scan3A_138 = arith.constant 0 : i32
      %scan3A_139 = arith.constant 32 : i32
      %scan3A_140 = arith.addi %scan3A_138, %scan3A_139 : i32
      %scan3A_141 = arith.constant 1 : i32
      scf.for %scan3A_143 = %scan3A_138 to %scan3A_140 step %scan3A_141  : i32 {
        %mul3A_144 = arith.constant 4 : i32
        %mul3A_145 = arith.muli %scan3A_143, %mul3A_144 : i32
        %add3A_146 = vector.broadcast %mul3A_145 : i32 to vector<16xi32>
        %add3A_147 = arith.addi %shift_right_logical3A_16, %add3A_146 : vector<16xi32>
        %gather3A = tpu.vector_load_idx %arg5[%and3A_14, %add3A_147] : memref<64x512xf32, #tpu.memory_space<vmem>>[vector<16xi32>, vector<16xi32>], vector<16xf32>,
        %add3A_148 = vector.broadcast %mul3A_145 : i32 to vector<16xi32>
        %add3A_149 = arith.addi %shift_right_logical3A_25, %add3A_148 : vector<16xi32>
        %gather3A_150 = tpu.vector_load_idx %arg5[%and3A_22, %add3A_149] : memref<64x512xf32, #tpu.memory_space<vmem>>[vector<16xi32>, vector<16xi32>], vector<16xf32>,
        %add3A_151 = vector.broadcast %mul3A_145 : i32 to vector<16xi32>
        %add3A_152 = arith.addi %shift_right_logical3A_34, %add3A_151 : vector<16xi32>
        %gather3A_153 = tpu.vector_load_idx %arg5[%and3A_31, %add3A_152] : memref<64x512xf32, #tpu.memory_space<vmem>>[vector<16xi32>, vector<16xi32>], vector<16xf32>,
        %add3A_154 = vector.broadcast %mul3A_145 : i32 to vector<16xi32>
        %add3A_155 = arith.addi %shift_right_logical3A_43, %add3A_154 : vector<16xi32>
        %gather3A_156 = tpu.vector_load_idx %arg5[%and3A_40, %add3A_155] : memref<64x512xf32, #tpu.memory_space<vmem>>[vector<16xi32>, vector<16xi32>], vector<16xf32>,
        %add3A_157 = vector.broadcast %mul3A_145 : i32 to vector<16xi32>
        %add3A_158 = arith.addi %shift_right_logical3A_52, %add3A_157 : vector<16xi32>
        %gather3A_159 = tpu.vector_load_idx %arg5[%and3A_49, %add3A_158] : memref<64x512xf32, #tpu.memory_space<vmem>>[vector<16xi32>, vector<16xi32>], vector<16xf32>,
        %add3A_160 = vector.broadcast %mul3A_145 : i32 to vector<16xi32>
        %add3A_161 = arith.addi %shift_right_logical3A_61, %add3A_160 : vector<16xi32>
        %gather3A_162 = tpu.vector_load_idx %arg5[%and3A_58, %add3A_161] : memref<64x512xf32, #tpu.memory_space<vmem>>[vector<16xi32>, vector<16xi32>], vector<16xf32>,
        %add3A_163 = vector.broadcast %mul3A_145 : i32 to vector<16xi32>
        %add3A_164 = arith.addi %shift_right_logical3A_70, %add3A_163 : vector<16xi32>
        %gather3A_165 = tpu.vector_load_idx %arg5[%and3A_67, %add3A_164] : memref<64x512xf32, #tpu.memory_space<vmem>>[vector<16xi32>, vector<16xi32>], vector<16xf32>,
        %add3A_166 = vector.broadcast %mul3A_145 : i32 to vector<16xi32>
        %add3A_167 = arith.addi %shift_right_logical3A_79, %add3A_166 : vector<16xi32>
        %gather3A_168 = tpu.vector_load_idx %arg5[%and3A_76, %add3A_167] : memref<64x512xf32, #tpu.memory_space<vmem>>[vector<16xi32>, vector<16xi32>], vector<16xf32>,
        %swap3A = arith.constant 0 : i32
        %swap3A_169 = arith.index_cast %swap3A : i32 to index
        %swap3A_170 = arith.index_cast %scan3A_143 : i32 to index
        %swap3A_171 = arith.constant 0 : index
        %swap3A_172 = tpu.vector_load %arg6[%swap3A_169, %swap3A_170, %swap3A_171] {strides = array<i32>} : memref<2x128x128xf32, #tpu.memory_space<vmem>>, vector<16xf32>,
        tpu.vector_store %arg6[%swap3A_169, %swap3A_170, %swap3A_171], %gather3A {strides = array<i32>} : memref<2x128x128xf32, #tpu.memory_space<vmem>>, vector<16xf32>,
        %swap3A_173 = arith.constant 0 : i32
        %swap3A_174 = arith.index_cast %swap3A_173 : i32 to index
        %swap3A_175 = arith.index_cast %scan3A_143 : i32 to index
        %swap3A_176 = arith.constant 16 : index
        %swap3A_177 = tpu.vector_load %arg6[%swap3A_174, %swap3A_175, %swap3A_176] {strides = array<i32>} : memref<2x128x128xf32, #tpu.memory_space<vmem>>, vector<16xf32>,
        tpu.vector_store %arg6[%swap3A_174, %swap3A_175, %swap3A_176], %gather3A_150 {strides = array<i32>} : memref<2x128x128xf32, #tpu.memory_space<vmem>>, vector<16xf32>,
        %swap3A_178 = arith.constant 0 : i32
        %swap3A_179 = arith.index_cast %swap3A_178 : i32 to index
        %swap3A_180 = arith.index_cast %scan3A_143 : i32 to index
        %swap3A_181 = arith.constant 32 : index
        %swap3A_182 = tpu.vector_load %arg6[%swap3A_179, %swap3A_180, %swap3A_181] {strides = array<i32>} : memref<2x128x128xf32, #tpu.memory_space<vmem>>, vector<16xf32>,
        tpu.vector_store %arg6[%swap3A_179, %swap3A_180, %swap3A_181], %gather3A_153 {strides = array<i32>} : memref<2x128x128xf32, #tpu.memory_space<vmem>>, vector<16xf32>,
        %swap3A_183 = arith.constant 0 : i32
        %swap3A_184 = arith.index_cast %swap3A_183 : i32 to index
        %swap3A_185 = arith.index_cast %scan3A_143 : i32 to index
        %swap3A_186 = arith.constant 48 : index
        %swap3A_187 = tpu.vector_load %arg6[%swap3A_184, %swap3A_185, %swap3A_186] {strides = array<i32>} : memref<2x128x128xf32, #tpu.memory_space<vmem>>, vector<16xf32>,
        tpu.vector_store %arg6[%swap3A_184, %swap3A_185, %swap3A_186], %gather3A_156 {strides = array<i32>} : memref<2x128x128xf32, #tpu.memory_space<vmem>>, vector<16xf32>,
        %swap3A_188 = arith.constant 0 : i32
        %swap3A_189 = arith.index_cast %swap3A_188 : i32 to index
        %swap3A_190 = arith.index_cast %scan3A_143 : i32 to index
        %swap3A_191 = arith.constant 64 : index
        %swap3A_192 = tpu.vector_load %arg6[%swap3A_189, %swap3A_190, %swap3A_191] {strides = array<i32>} : memref<2x128x128xf32, #tpu.memory_space<vmem>>, vector<16xf32>,
        tpu.vector_store %arg6[%swap3A_189, %swap3A_190, %swap3A_191], %gather3A_159 {strides = array<i32>} : memref<2x128x128xf32, #tpu.memory_space<vmem>>, vector<16xf32>,
        %swap3A_193 = arith.constant 0 : i32
        %swap3A_194 = arith.index_cast %swap3A_193 : i32 to index
        %swap3A_195 = arith.index_cast %scan3A_143 : i32 to index
        %swap3A_196 = arith.constant 80 : index
        %swap3A_197 = tpu.vector_load %arg6[%swap3A_194, %swap3A_195, %swap3A_196] {strides = array<i32>} : memref<2x128x128xf32, #tpu.memory_space<vmem>>, vector<16xf32>,
        tpu.vector_store %arg6[%swap3A_194, %swap3A_195, %swap3A_196], %gather3A_162 {strides = array<i32>} : memref<2x128x128xf32, #tpu.memory_space<vmem>>, vector<16xf32>,
        %swap3A_198 = arith.constant 0 : i32
        %swap3A_199 = arith.index_cast %swap3A_198 : i32 to index
        %swap3A_200 = arith.index_cast %scan3A_143 : i32 to index
        %swap3A_201 = arith.constant 96 : index
        %swap3A_202 = tpu.vector_load %arg6[%swap3A_199, %swap3A_200, %swap3A_201] {strides = array<i32>} : memref<2x128x128xf32, #tpu.memory_space<vmem>>, vector<16xf32>,
        tpu.vector_store %arg6[%swap3A_199, %swap3A_200, %swap3A_201], %gather3A_165 {strides = array<i32>} : memref<2x128x128xf32, #tpu.memory_space<vmem>>, vector<16xf32>,
        %swap3A_203 = arith.constant 0 : i32
        %swap3A_204 = arith.index_cast %swap3A_203 : i32 to index
        %swap3A_205 = arith.index_cast %scan3A_143 : i32 to index
        %swap3A_206 = arith.constant 112 : index
        %swap3A_207 = tpu.vector_load %arg6[%swap3A_204, %swap3A_205, %swap3A_206] {strides = array<i32>} : memref<2x128x128xf32, #tpu.memory_space<vmem>>, vector<16xf32>,
        tpu.vector_store %arg6[%swap3A_204, %swap3A_205, %swap3A_206], %gather3A_168 {strides = array<i32>} : memref<2x128x128xf32, #tpu.memory_space<vmem>>, vector<16xf32>,
      }
      %scan3A_142 = arith.constant 32 : i32
      %run_scoped3A = arith.constant 0 : i32
      "tpu.region"() ({
        %run_scoped3A_143 = tpu.sem_alloc : memref<!tpu.dma_semaphore, #tpu.memory_space<semaphore_mem>>
        %dma_start3A_144 = arith.constant 0 : i32
        %dma_start3A_145 = arith.constant 0 : i32
        %dma_start3A_146 = tpu.memref_slice %arg6[%run_scoped3A, %dma_start3A_144, %dma_start3A_145] : memref<2x128x128xf32, #tpu.memory_space<vmem>> -> memref<1x32x128xf32, #tpu.memory_space<vmem>>
        %dma_start3A_147 = tpu.memref_squeeze %dma_start3A_146 : memref<1x32x128xf32, #tpu.memory_space<vmem>> -> memref<32x128xf32, #tpu.memory_space<vmem>>
        %dma_start3A_148 = arith.constant 0 : i32
        %dma_start3A_149 = tpu.memref_slice %arg4[%add3A_133, %dma_start3A_148] : memref<250000x128xf32, #tpu.memory_space<hbm>> -> memref<32x128xf32, #tpu.memory_space<hbm>>
        %dma_start3A_150 = arith.constant 0 : i32
        %dma_start3A_151 = tpu.memref_slice %arg4[%add3A_133, %dma_start3A_150] : memref<250000x128xf32, #tpu.memory_space<hbm>> -> memref<32x128xf32, #tpu.memory_space<hbm>>
        %dma_start3A_152 = arith.constant 0 : i32
        %dma_start3A_153 = arith.constant 0 : i32
        %dma_start3A_154 = tpu.memref_slice %arg6[%run_scoped3A, %dma_start3A_152, %dma_start3A_153] : memref<2x128x128xf32, #tpu.memory_space<vmem>> -> memref<1x32x128xf32, #tpu.memory_space<vmem>>
        %dma_start3A_155 = tpu.memref_squeeze %dma_start3A_154 : memref<1x32x128xf32, #tpu.memory_space<vmem>> -> memref<32x128xf32, #tpu.memory_space<vmem>>
        tpu.enqueue_dma source(%dma_start3A_155 : memref<32x128xf32, #tpu.memory_space<vmem>>) target(%dma_start3A_151 : memref<32x128xf32, #tpu.memory_space<hbm>>) target_semaphore(%run_scoped3A_143 : memref<!tpu.dma_semaphore, #tpu.memory_space<semaphore_mem>>)
        %dma_wait3A_156 = arith.constant 0 : i32
        %dma_wait3A_157 = arith.constant 0 : i32
        %dma_wait3A_158 = tpu.memref_slice %arg6[%run_scoped3A, %dma_wait3A_156, %dma_wait3A_157] : memref<2x128x128xf32, #tpu.memory_space<vmem>> -> memref<1x32x128xf32, #tpu.memory_space<vmem>>
        %dma_wait3A_159 = tpu.memref_squeeze %dma_wait3A_158 : memref<1x32x128xf32, #tpu.memory_space<vmem>> -> memref<32x128xf32, #tpu.memory_space<vmem>>
        %dma_wait3A_160 = arith.constant 0 : i32
        %dma_wait3A_161 = tpu.memref_slice %arg4[%add3A_133, %dma_wait3A_160] : memref<250000x128xf32, #tpu.memory_space<hbm>> -> memref<32x128xf32, #tpu.memory_space<hbm>>
        %dma_wait3A_162 = arith.constant 0 : i32
        %dma_wait3A_163 = tpu.memref_slice %arg4[%add3A_133, %dma_wait3A_162] : memref<250000x128xf32, #tpu.memory_space<hbm>> -> memref<32x128xf32, #tpu.memory_space<hbm>>
        %dma_wait3A_164 = arith.constant 0 : i32
        %dma_wait3A_165 = arith.constant 0 : i32
        %dma_wait3A_166 = tpu.memref_slice %arg6[%run_scoped3A, %dma_wait3A_164, %dma_wait3A_165] : memref<2x128x128xf32, #tpu.memory_space<vmem>> -> memref<1x32x128xf32, #tpu.memory_space<vmem>>
        %dma_wait3A_167 = tpu.memref_squeeze %dma_wait3A_166 : memref<1x32x128xf32, #tpu.memory_space<vmem>> -> memref<32x128xf32, #tpu.memory_space<vmem>>
        tpu.wait_dma2 semaphore(%run_scoped3A_143 : memref<!tpu.dma_semaphore, #tpu.memory_space<semaphore_mem>>) src(%dma_wait3A_167 : memref<32x128xf32, #tpu.memory_space<vmem>>) dst(%dma_wait3A_163 : memref<32x128xf32, #tpu.memory_space<hbm>>)
        tpu.yield
      }) : () -> ()
    } else {
    }
    %eq3A = arith.constant 4 : i32
    %eq3A_128 = arith.cmpi eq, %add3A, %eq3A : i32
    %convert_element_type3A_129 = arith.extui %eq3A_128 : i1 to i32
    %cond3A_130 = arith.constant 0 : i32
    %cond3A_131 = arith.cmpi ne, %convert_element_type3A_129, %cond3A_130 : i32
    scf.if %cond3A_131 {
      "tpu.region"() ({
        %run_scoped3A_138 = tpu.sem_alloc : memref<!tpu.dma_semaphore, #tpu.memory_space<semaphore_mem>>
        tpu.enqueue_dma source(%arg3 : memref<64x32xf32, #tpu.memory_space<hbm>>) target(%arg7 : memref<64x32xf32, #tpu.memory_space<vmem>>) target_semaphore(%run_scoped3A_138 : memref<!tpu.dma_semaphore, #tpu.memory_space<semaphore_mem>>)
        tpu.wait_dma2 semaphore(%run_scoped3A_138 : memref<!tpu.dma_semaphore, #tpu.memory_space<semaphore_mem>>) src(%arg3 : memref<64x32xf32, #tpu.memory_space<hbm>>) dst(%arg7 : memref<64x32xf32, #tpu.memory_space<vmem>>)
        tpu.yield
      }) : () -> ()
      %scan3A_132 = arith.constant 0 : i32
      %scan3A_133 = arith.constant 0 : i32
      %scan3A_134 = arith.constant 16 : i32
      %scan3A_135 = arith.addi %scan3A_133, %scan3A_134 : i32
      %scan3A_136 = arith.constant 1 : i32
      scf.for %scan3A_138 = %scan3A_133 to %scan3A_135 step %scan3A_136  : i32 {
        %mul3A_139 = arith.constant 4 : i32
        %mul3A_140 = arith.muli %scan3A_138, %mul3A_139 : i32
        %add3A_141 = vector.broadcast %mul3A_140 : i32 to vector<16xi32>
        %add3A_142 = arith.addi %shift_right_logical3A_16, %add3A_141 : vector<16xi32>
        %gather3A = tpu.vector_load_idx %arg7[%add3A_142, %and3A_14] : memref<64x32xf32, #tpu.memory_space<vmem>>[vector<16xi32>, vector<16xi32>], vector<16xf32>,
        %add3A_143 = vector.broadcast %mul3A_140 : i32 to vector<16xi32>
        %add3A_144 = arith.addi %shift_right_logical3A_25, %add3A_143 : vector<16xi32>
        %gather3A_145 = tpu.vector_load_idx %arg7[%add3A_144, %and3A_22] : memref<64x32xf32, #tpu.memory_space<vmem>>[vector<16xi32>, vector<16xi32>], vector<16xf32>,
        %add3A_146 = vector.broadcast %mul3A_140 : i32 to vector<16xi32>
        %add3A_147 = arith.addi %shift_right_logical3A_34, %add3A_146 : vector<16xi32>
        %gather3A_148 = tpu.vector_load_idx %arg7[%add3A_147, %and3A_31] : memref<64x32xf32, #tpu.memory_space<vmem>>[vector<16xi32>, vector<16xi32>], vector<16xf32>,
        %add3A_149 = vector.broadcast %mul3A_140 : i32 to vector<16xi32>
        %add3A_150 = arith.addi %shift_right_logical3A_43, %add3A_149 : vector<16xi32>
        %gather3A_151 = tpu.vector_load_idx %arg7[%add3A_150, %and3A_40] : memref<64x32xf32, #tpu.memory_space<vmem>>[vector<16xi32>, vector<16xi32>], vector<16xf32>,
        %add3A_152 = vector.broadcast %mul3A_140 : i32 to vector<16xi32>
        %add3A_153 = arith.addi %shift_right_logical3A_52, %add3A_152 : vector<16xi32>
        %gather3A_154 = tpu.vector_load_idx %arg7[%add3A_153, %and3A_49] : memref<64x32xf32, #tpu.memory_space<vmem>>[vector<16xi32>, vector<16xi32>], vector<16xf32>,
        %add3A_155 = vector.broadcast %mul3A_140 : i32 to vector<16xi32>
        %add3A_156 = arith.addi %shift_right_logical3A_61, %add3A_155 : vector<16xi32>
        %gather3A_157 = tpu.vector_load_idx %arg7[%add3A_156, %and3A_58] : memref<64x32xf32, #tpu.memory_space<vmem>>[vector<16xi32>, vector<16xi32>], vector<16xf32>,
        %add3A_158 = vector.broadcast %mul3A_140 : i32 to vector<16xi32>
        %add3A_159 = arith.addi %shift_right_logical3A_70, %add3A_158 : vector<16xi32>
        %gather3A_160 = tpu.vector_load_idx %arg7[%add3A_159, %and3A_67] : memref<64x32xf32, #tpu.memory_space<vmem>>[vector<16xi32>, vector<16xi32>], vector<16xf32>,
        %add3A_161 = vector.broadcast %mul3A_140 : i32 to vector<16xi32>
        %add3A_162 = arith.addi %shift_right_logical3A_79, %add3A_161 : vector<16xi32>
        %gather3A_163 = tpu.vector_load_idx %arg7[%add3A_162, %and3A_76] : memref<64x32xf32, #tpu.memory_space<vmem>>[vector<16xi32>, vector<16xi32>], vector<16xf32>,
        %swap3A = arith.constant 0 : i32
        %swap3A_164 = arith.index_cast %swap3A : i32 to index
        %swap3A_165 = arith.index_cast %scan3A_138 : i32 to index
        %swap3A_166 = arith.constant 0 : index
        %swap3A_167 = tpu.vector_load %arg6[%swap3A_164, %swap3A_165, %swap3A_166] {strides = array<i32>} : memref<2x128x128xf32, #tpu.memory_space<vmem>>, vector<16xf32>,
        tpu.vector_store %arg6[%swap3A_164, %swap3A_165, %swap3A_166], %gather3A {strides = array<i32>} : memref<2x128x128xf32, #tpu.memory_space<vmem>>, vector<16xf32>,
        %swap3A_168 = arith.constant 0 : i32
        %swap3A_169 = arith.index_cast %swap3A_168 : i32 to index
        %swap3A_170 = arith.index_cast %scan3A_138 : i32 to index
        %swap3A_171 = arith.constant 16 : index
        %swap3A_172 = tpu.vector_load %arg6[%swap3A_169, %swap3A_170, %swap3A_171] {strides = array<i32>} : memref<2x128x128xf32, #tpu.memory_space<vmem>>, vector<16xf32>,
        tpu.vector_store %arg6[%swap3A_169, %swap3A_170, %swap3A_171], %gather3A_145 {strides = array<i32>} : memref<2x128x128xf32, #tpu.memory_space<vmem>>, vector<16xf32>,
        %swap3A_173 = arith.constant 0 : i32
        %swap3A_174 = arith.index_cast %swap3A_173 : i32 to index
        %swap3A_175 = arith.index_cast %scan3A_138 : i32 to index
        %swap3A_176 = arith.constant 32 : index
        %swap3A_177 = tpu.vector_load %arg6[%swap3A_174, %swap3A_175, %swap3A_176] {strides = array<i32>} : memref<2x128x128xf32, #tpu.memory_space<vmem>>, vector<16xf32>,
        tpu.vector_store %arg6[%swap3A_174, %swap3A_175, %swap3A_176], %gather3A_148 {strides = array<i32>} : memref<2x128x128xf32, #tpu.memory_space<vmem>>, vector<16xf32>,
        %swap3A_178 = arith.constant 0 : i32
        %swap3A_179 = arith.index_cast %swap3A_178 : i32 to index
        %swap3A_180 = arith.index_cast %scan3A_138 : i32 to index
        %swap3A_181 = arith.constant 48 : index
        %swap3A_182 = tpu.vector_load %arg6[%swap3A_179, %swap3A_180, %swap3A_181] {strides = array<i32>} : memref<2x128x128xf32, #tpu.memory_space<vmem>>, vector<16xf32>,
        tpu.vector_store %arg6[%swap3A_179, %swap3A_180, %swap3A_181], %gather3A_151 {strides = array<i32>} : memref<2x128x128xf32, #tpu.memory_space<vmem>>, vector<16xf32>,
        %swap3A_183 = arith.constant 0 : i32
        %swap3A_184 = arith.index_cast %swap3A_183 : i32 to index
        %swap3A_185 = arith.index_cast %scan3A_138 : i32 to index
        %swap3A_186 = arith.constant 64 : index
        %swap3A_187 = tpu.vector_load %arg6[%swap3A_184, %swap3A_185, %swap3A_186] {strides = array<i32>} : memref<2x128x128xf32, #tpu.memory_space<vmem>>, vector<16xf32>,
        tpu.vector_store %arg6[%swap3A_184, %swap3A_185, %swap3A_186], %gather3A_154 {strides = array<i32>} : memref<2x128x128xf32, #tpu.memory_space<vmem>>, vector<16xf32>,
        %swap3A_188 = arith.constant 0 : i32
        %swap3A_189 = arith.index_cast %swap3A_188 : i32 to index
        %swap3A_190 = arith.index_cast %scan3A_138 : i32 to index
        %swap3A_191 = arith.constant 80 : index
        %swap3A_192 = tpu.vector_load %arg6[%swap3A_189, %swap3A_190, %swap3A_191] {strides = array<i32>} : memref<2x128x128xf32, #tpu.memory_space<vmem>>, vector<16xf32>,
        tpu.vector_store %arg6[%swap3A_189, %swap3A_190, %swap3A_191], %gather3A_157 {strides = array<i32>} : memref<2x128x128xf32, #tpu.memory_space<vmem>>, vector<16xf32>,
        %swap3A_193 = arith.constant 0 : i32
        %swap3A_194 = arith.index_cast %swap3A_193 : i32 to index
        %swap3A_195 = arith.index_cast %scan3A_138 : i32 to index
        %swap3A_196 = arith.constant 96 : index
        %swap3A_197 = tpu.vector_load %arg6[%swap3A_194, %swap3A_195, %swap3A_196] {strides = array<i32>} : memref<2x128x128xf32, #tpu.memory_space<vmem>>, vector<16xf32>,
        tpu.vector_store %arg6[%swap3A_194, %swap3A_195, %swap3A_196], %gather3A_160 {strides = array<i32>} : memref<2x128x128xf32, #tpu.memory_space<vmem>>, vector<16xf32>,
        %swap3A_198 = arith.constant 0 : i32
        %swap3A_199 = arith.index_cast %swap3A_198 : i32 to index
        %swap3A_200 = arith.index_cast %scan3A_138 : i32 to index
        %swap3A_201 = arith.constant 112 : index
        %swap3A_202 = tpu.vector_load %arg6[%swap3A_199, %swap3A_200, %swap3A_201] {strides = array<i32>} : memref<2x128x128xf32, #tpu.memory_space<vmem>>, vector<16xf32>,
        tpu.vector_store %arg6[%swap3A_199, %swap3A_200, %swap3A_201], %gather3A_163 {strides = array<i32>} : memref<2x128x128xf32, #tpu.memory_space<vmem>>, vector<16xf32>,
      }
      %scan3A_137 = arith.constant 16 : i32
      %run_scoped3A = arith.constant 0 : i32
      "tpu.region"() ({
        %run_scoped3A_138 = tpu.sem_alloc : memref<!tpu.dma_semaphore, #tpu.memory_space<semaphore_mem>>
        %dma_start3A_139 = arith.constant 0 : i32
        %dma_start3A_140 = arith.constant 0 : i32
        %dma_start3A_141 = tpu.memref_slice %arg6[%run_scoped3A, %dma_start3A_139, %dma_start3A_140] : memref<2x128x128xf32, #tpu.memory_space<vmem>> -> memref<1x16x128xf32, #tpu.memory_space<vmem>>
        %dma_start3A_142 = tpu.memref_squeeze %dma_start3A_141 : memref<1x16x128xf32, #tpu.memory_space<vmem>> -> memref<16x128xf32, #tpu.memory_space<vmem>>
        %dma_start3A_143 = arith.constant 249984 : i32
        %dma_start3A_144 = arith.constant 0 : i32
        %dma_start3A_145 = tpu.memref_slice %arg4[%dma_start3A_143, %dma_start3A_144] : memref<250000x128xf32, #tpu.memory_space<hbm>> -> memref<16x128xf32, #tpu.memory_space<hbm>>
        %dma_start3A_146 = arith.constant 249984 : i32
        %dma_start3A_147 = arith.constant 0 : i32
        %dma_start3A_148 = tpu.memref_slice %arg4[%dma_start3A_146, %dma_start3A_147] : memref<250000x128xf32, #tpu.memory_space<hbm>> -> memref<16x128xf32, #tpu.memory_space<hbm>>
        %dma_start3A_149 = arith.constant 0 : i32
        %dma_start3A_150 = arith.constant 0 : i32
        %dma_start3A_151 = tpu.memref_slice %arg6[%run_scoped3A, %dma_start3A_149, %dma_start3A_150] : memref<2x128x128xf32, #tpu.memory_space<vmem>> -> memref<1x16x128xf32, #tpu.memory_space<vmem>>
        %dma_start3A_152 = tpu.memref_squeeze %dma_start3A_151 : memref<1x16x128xf32, #tpu.memory_space<vmem>> -> memref<16x128xf32, #tpu.memory_space<vmem>>
        tpu.enqueue_dma source(%dma_start3A_152 : memref<16x128xf32, #tpu.memory_space<vmem>>) target(%dma_start3A_148 : memref<16x128xf32, #tpu.memory_space<hbm>>) target_semaphore(%run_scoped3A_138 : memref<!tpu.dma_semaphore, #tpu.memory_space<semaphore_mem>>)
        %dma_wait3A_153 = arith.constant 0 : i32
        %dma_wait3A_154 = arith.constant 0 : i32
        %dma_wait3A_155 = tpu.memref_slice %arg6[%run_scoped3A, %dma_wait3A_153, %dma_wait3A_154] : memref<2x128x128xf32, #tpu.memory_space<vmem>> -> memref<1x16x128xf32, #tpu.memory_space<vmem>>
        %dma_wait3A_156 = tpu.memref_squeeze %dma_wait3A_155 : memref<1x16x128xf32, #tpu.memory_space<vmem>> -> memref<16x128xf32, #tpu.memory_space<vmem>>
        %dma_wait3A_157 = arith.constant 249984 : i32
        %dma_wait3A_158 = arith.constant 0 : i32
        %dma_wait3A_159 = tpu.memref_slice %arg4[%dma_wait3A_157, %dma_wait3A_158] : memref<250000x128xf32, #tpu.memory_space<hbm>> -> memref<16x128xf32, #tpu.memory_space<hbm>>
        %dma_wait3A_160 = arith.constant 249984 : i32
        %dma_wait3A_161 = arith.constant 0 : i32
        %dma_wait3A_162 = tpu.memref_slice %arg4[%dma_wait3A_160, %dma_wait3A_161] : memref<250000x128xf32, #tpu.memory_space<hbm>> -> memref<16x128xf32, #tpu.memory_space<hbm>>
        %dma_wait3A_163 = arith.constant 0 : i32
        %dma_wait3A_164 = arith.constant 0 : i32
        %dma_wait3A_165 = tpu.memref_slice %arg6[%run_scoped3A, %dma_wait3A_163, %dma_wait3A_164] : memref<2x128x128xf32, #tpu.memory_space<vmem>> -> memref<1x16x128xf32, #tpu.memory_space<vmem>>
        %dma_wait3A_166 = tpu.memref_squeeze %dma_wait3A_165 : memref<1x16x128xf32, #tpu.memory_space<vmem>> -> memref<16x128xf32, #tpu.memory_space<vmem>>
        tpu.wait_dma2 semaphore(%run_scoped3A_138 : memref<!tpu.dma_semaphore, #tpu.memory_space<semaphore_mem>>) src(%dma_wait3A_166 : memref<16x128xf32, #tpu.memory_space<vmem>>) dst(%dma_wait3A_162 : memref<16x128xf32, #tpu.memory_space<hbm>>)
        tpu.yield
      }) : () -> ()
    } else {
    }
    return
  }
}

#map = affine_map<(d0, d1) -> (0, 0)>
#map1 = affine_map<(d0, d1) -> (0, 0, 0)>
module attributes {stable_mosaic.version = 14 : i64} {
  func.func @_gather_kernel(%arg0: i32, %arg1: i32, %arg2: memref<50x4096xi32, #tpu.memory_space<hbm>>, %arg3: memref<250000x128xf32, #tpu.memory_space<hbm>>, %arg4: memref<50x32x4096xf32, #tpu.memory_space<hbm>>, %arg5: memref<50x128xi32, #tpu.memory_space<vmem>>, %arg6: memref<50x128xi32, #tpu.memory_space<vmem>>, %arg7: memref<384x128xf32, #tpu.memory_space<vmem>>, %arg8: memref<2x32x128xf32, #tpu.memory_space<vmem>>, %arg9: memref<!tpu.dma_semaphore, #tpu.memory_space<semaphore_mem>>, %arg10: memref<!tpu.dma_semaphore, #tpu.memory_space<semaphore_mem>>) attributes {dimension_semantics = [#tpu.dimension_semantics<core_parallel>, #tpu.dimension_semantics<subcore_parallel>], iteration_bounds = array<i64: 2, 16>, scalar_prefetch = 0 : i64, scratch_operands = 6 : i64, tpu.core_type = #tpu.core_type<sc_vector_subcore>, window_params = [{transform_indices = #map}, {transform_indices = #map}, {transform_indices = #map1}]} {
    %mul3A = arith.constant 2 : i32
    %mul3A_0 = arith.muli %arg1, %mul3A : i32
    %add3A = arith.addi %mul3A_0, %arg0 : i32
    %mul3A_1 = arith.constant 128 : i32
    %mul3A_2 = arith.muli %add3A, %mul3A_1 : i32
    %multiple_of3A = tpu.assume_multiple %mul3A_2, 128 : i32
    "tpu.region"() ({
      %run_scoped3A = tpu.sem_alloc : memref<!tpu.dma_semaphore, #tpu.memory_space<semaphore_mem>>
      %dma_start3A_90 = arith.constant 0 : i32
      %dma_start3A_91 = tpu.memref_slice %arg2[%dma_start3A_90, %multiple_of3A] : memref<50x4096xi32, #tpu.memory_space<hbm>> -> memref<50x128xi32, #tpu.memory_space<hbm>>
      %dma_start3A_92 = arith.constant 0 : i32
      %dma_start3A_93 = tpu.memref_slice %arg2[%dma_start3A_92, %multiple_of3A] : memref<50x4096xi32, #tpu.memory_space<hbm>> -> memref<50x128xi32, #tpu.memory_space<hbm>>
      tpu.enqueue_dma source(%dma_start3A_93 : memref<50x128xi32, #tpu.memory_space<hbm>>) target(%arg5 : memref<50x128xi32, #tpu.memory_space<vmem>>) target_semaphore(%run_scoped3A : memref<!tpu.dma_semaphore, #tpu.memory_space<semaphore_mem>>)
      %dma_wait3A_94 = arith.constant 0 : i32
      %dma_wait3A_95 = tpu.memref_slice %arg2[%dma_wait3A_94, %multiple_of3A] : memref<50x4096xi32, #tpu.memory_space<hbm>> -> memref<50x128xi32, #tpu.memory_space<hbm>>
      %dma_wait3A_96 = arith.constant 0 : i32
      %dma_wait3A_97 = tpu.memref_slice %arg2[%dma_wait3A_96, %multiple_of3A] : memref<50x4096xi32, #tpu.memory_space<hbm>> -> memref<50x128xi32, #tpu.memory_space<hbm>>
      tpu.wait_dma2 semaphore(%run_scoped3A : memref<!tpu.dma_semaphore, #tpu.memory_space<semaphore_mem>>) src(%dma_wait3A_97 : memref<50x128xi32, #tpu.memory_space<hbm>>) dst(%arg5 : memref<50x128xi32, #tpu.memory_space<vmem>>)
      tpu.yield
    }) : () -> ()
    %scan3A = arith.constant 0 : i32
    %scan3A_3 = arith.constant 0 : i32
    %scan3A_4 = arith.constant 400 : i32
    %scan3A_5 = arith.addi %scan3A_3, %scan3A_4 : i32
    %scan3A_6 = arith.constant 1 : i32
    scf.for %scan3A_90 = %scan3A_3 to %scan3A_5 step %scan3A_6  : i32 {
      %rem3A = arith.constant 50 : i32
      %rem3A_91 = arith.remsi %scan3A_90, %rem3A : i32
      %div3A = arith.constant 50 : i32
      %div3A_92 = arith.divsi %scan3A_90, %div3A : i32
      %mul3A_93 = arith.constant 16 : i32
      %mul3A_94 = arith.muli %div3A_92, %mul3A_93 : i32
      %get3A = arith.index_cast %rem3A_91 : i32 to index
      %get3A_95 = arith.index_cast %mul3A_94 : i32 to index
      %get3A_96 = tpu.vector_load %arg5[%get3A, %get3A_95] {strides = array<i32>} : memref<50x128xi32, #tpu.memory_space<vmem>>, vector<16xi32>,
      %shift_right_logical3A = arith.constant 2 : i32
      %shift_right_logical3A_97 = vector.broadcast %shift_right_logical3A : i32 to vector<16xi32>
      %shift_right_logical3A_98 = arith.shrui %get3A_96, %shift_right_logical3A_97 : vector<16xi32>
      %swap3A = arith.index_cast %rem3A_91 : i32 to index
      %swap3A_99 = arith.index_cast %mul3A_94 : i32 to index
      %swap3A_100 = tpu.vector_load %arg6[%swap3A, %swap3A_99] {strides = array<i32>} : memref<50x128xi32, #tpu.memory_space<vmem>>, vector<16xi32>,
      tpu.vector_store %arg6[%swap3A, %swap3A_99], %shift_right_logical3A_98 {strides = array<i32>} : memref<50x128xi32, #tpu.memory_space<vmem>>, vector<16xi32>,
    }
    %scan3A_7 = arith.constant 400 : i32
    %multiple_of3A_8 = arith.constant 0 : i32
    %multiple_of3A_9 = tpu.assume_multiple %multiple_of3A_8, 128 : i32
    %dma_start3A = arith.constant 0 : i32
    %dma_start3A_10 = arith.constant 0 : i32
    %dma_start3A_11 = tpu.memref_slice %arg7[%multiple_of3A_9, %dma_start3A_10] : memref<384x128xf32, #tpu.memory_space<vmem>> -> memref<128x128xf32, #tpu.memory_space<vmem>>
    %dma_start3A_12 = arith.constant 0 : i32
    %dma_start3A_13 = tpu.memref_slice %arg6[%dma_start3A, %dma_start3A_12] : memref<50x128xi32, #tpu.memory_space<vmem>> -> memref<1x128xi32, #tpu.memory_space<vmem>>
    %dma_start3A_14 = tpu.memref_squeeze %dma_start3A_13 : memref<1x128xi32, #tpu.memory_space<vmem>> -> memref<128xi32, #tpu.memory_space<vmem>>
    %dma_start3A_15 = arith.constant 0 : i32
    %dma_start3A_16 = arith.constant 0 : i32
    %dma_start3A_17 = tpu.memref_slice %arg3[%dma_start3A_15, %dma_start3A_16] : memref<250000x128xf32, #tpu.memory_space<hbm>> -> memref<250000x128xf32, #tpu.memory_space<hbm>>
    tpu.enqueue_indirect_dma source(%dma_start3A_17 : memref<250000x128xf32, #tpu.memory_space<hbm>>) target(%dma_start3A_11 : memref<128x128xf32, #tpu.memory_space<vmem>>) offsets(%dma_start3A_14 : memref<128xi32, #tpu.memory_space<vmem>>) semaphore(%arg9 : memref<!tpu.dma_semaphore, #tpu.memory_space<semaphore_mem>>)
    %multiple_of3A_18 = arith.constant 128 : i32
    %multiple_of3A_19 = tpu.assume_multiple %multiple_of3A_18, 128 : i32
    %dma_start3A_20 = arith.constant 1 : i32
    %dma_start3A_21 = arith.constant 0 : i32
    %dma_start3A_22 = tpu.memref_slice %arg7[%multiple_of3A_19, %dma_start3A_21] : memref<384x128xf32, #tpu.memory_space<vmem>> -> memref<128x128xf32, #tpu.memory_space<vmem>>
    %dma_start3A_23 = arith.constant 0 : i32
    %dma_start3A_24 = tpu.memref_slice %arg6[%dma_start3A_20, %dma_start3A_23] : memref<50x128xi32, #tpu.memory_space<vmem>> -> memref<1x128xi32, #tpu.memory_space<vmem>>
    %dma_start3A_25 = tpu.memref_squeeze %dma_start3A_24 : memref<1x128xi32, #tpu.memory_space<vmem>> -> memref<128xi32, #tpu.memory_space<vmem>>
    %dma_start3A_26 = arith.constant 0 : i32
    %dma_start3A_27 = arith.constant 0 : i32
    %dma_start3A_28 = tpu.memref_slice %arg3[%dma_start3A_26, %dma_start3A_27] : memref<250000x128xf32, #tpu.memory_space<hbm>> -> memref<250000x128xf32, #tpu.memory_space<hbm>>
    tpu.enqueue_indirect_dma source(%dma_start3A_28 : memref<250000x128xf32, #tpu.memory_space<hbm>>) target(%dma_start3A_22 : memref<128x128xf32, #tpu.memory_space<vmem>>) offsets(%dma_start3A_25 : memref<128xi32, #tpu.memory_space<vmem>>) semaphore(%arg9 : memref<!tpu.dma_semaphore, #tpu.memory_space<semaphore_mem>>)
    %iota3A = tpu.iota {dimensions = array<i32: 0>} : vector<16xi32>
    %add3A_29 = arith.constant 0 : i32
    %add3A_30 = vector.broadcast %add3A_29 : i32 to vector<16xi32>
    %add3A_31 = arith.addi %iota3A, %add3A_30 : vector<16xi32>
    %add3A_32 = arith.constant 16 : i32
    %add3A_33 = vector.broadcast %add3A_32 : i32 to vector<16xi32>
    %add3A_34 = arith.addi %iota3A, %add3A_33 : vector<16xi32>
    %add3A_35 = arith.constant 32 : i32
    %add3A_36 = vector.broadcast %add3A_35 : i32 to vector<16xi32>
    %add3A_37 = arith.addi %iota3A, %add3A_36 : vector<16xi32>
    %add3A_38 = arith.constant 48 : i32
    %add3A_39 = vector.broadcast %add3A_38 : i32 to vector<16xi32>
    %add3A_40 = arith.addi %iota3A, %add3A_39 : vector<16xi32>
    %add3A_41 = arith.constant 64 : i32
    %add3A_42 = vector.broadcast %add3A_41 : i32 to vector<16xi32>
    %add3A_43 = arith.addi %iota3A, %add3A_42 : vector<16xi32>
    %add3A_44 = arith.constant 80 : i32
    %add3A_45 = vector.broadcast %add3A_44 : i32 to vector<16xi32>
    %add3A_46 = arith.addi %iota3A, %add3A_45 : vector<16xi32>
    %add3A_47 = arith.constant 96 : i32
    %add3A_48 = vector.broadcast %add3A_47 : i32 to vector<16xi32>
    %add3A_49 = arith.addi %iota3A, %add3A_48 : vector<16xi32>
    %add3A_50 = arith.constant 112 : i32
    %add3A_51 = vector.broadcast %add3A_50 : i32 to vector<16xi32>
    %add3A_52 = arith.addi %iota3A, %add3A_51 : vector<16xi32>
    %scan3A_53 = arith.constant 0 : i32
    %scan3A_54 = arith.constant 2 : i32
    %scan3A_55 = arith.constant 50 : i32
    %scan3A_56 = arith.addi %scan3A_54, %scan3A_55 : i32
    %scan3A_57 = arith.constant 1 : i32
    scf.for %scan3A_90 = %scan3A_54 to %scan3A_56 step %scan3A_57  : i32 {
      %lt3A = arith.constant 50 : i32
      %lt3A_91 = arith.cmpi slt, %scan3A_90, %lt3A : i32
      %convert_element_type3A = arith.extui %lt3A_91 : i1 to i32
      %cond3A = arith.constant 0 : i32
      %cond3A_92 = arith.cmpi ne, %convert_element_type3A, %cond3A : i32
      scf.if %cond3A_92 {
        %rem3A_130 = arith.constant 3 : i32
        %rem3A_131 = arith.remsi %scan3A_90, %rem3A_130 : i32
        %mul3A_132 = arith.constant 128 : i32
        %mul3A_133 = arith.muli %rem3A_131, %mul3A_132 : i32
        %multiple_of3A_134 = tpu.assume_multiple %mul3A_133, 128 : i32
        %dma_start3A_135 = arith.constant 0 : i32
        %dma_start3A_136 = tpu.memref_slice %arg7[%multiple_of3A_134, %dma_start3A_135] : memref<384x128xf32, #tpu.memory_space<vmem>> -> memref<128x128xf32, #tpu.memory_space<vmem>>
        %dma_start3A_137 = arith.constant 0 : i32
        %dma_start3A_138 = tpu.memref_slice %arg6[%scan3A_90, %dma_start3A_137] : memref<50x128xi32, #tpu.memory_space<vmem>> -> memref<1x128xi32, #tpu.memory_space<vmem>>
        %dma_start3A_139 = tpu.memref_squeeze %dma_start3A_138 : memref<1x128xi32, #tpu.memory_space<vmem>> -> memref<128xi32, #tpu.memory_space<vmem>>
        %dma_start3A_140 = arith.constant 0 : i32
        %dma_start3A_141 = arith.constant 0 : i32
        %dma_start3A_142 = tpu.memref_slice %arg3[%dma_start3A_140, %dma_start3A_141] : memref<250000x128xf32, #tpu.memory_space<hbm>> -> memref<250000x128xf32, #tpu.memory_space<hbm>>
        tpu.enqueue_indirect_dma source(%dma_start3A_142 : memref<250000x128xf32, #tpu.memory_space<hbm>>) target(%dma_start3A_136 : memref<128x128xf32, #tpu.memory_space<vmem>>) offsets(%dma_start3A_139 : memref<128xi32, #tpu.memory_space<vmem>>) semaphore(%arg9 : memref<!tpu.dma_semaphore, #tpu.memory_space<semaphore_mem>>)
      } else {
      }
      %sub3A = arith.constant 2 : i32
      %sub3A_93 = arith.subi %scan3A_90, %sub3A : i32
      %multiple_of3A_94 = arith.constant 0 : i32
      %multiple_of3A_95 = tpu.assume_multiple %multiple_of3A_94, 128 : i32
      %dma_wait3A_96 = arith.constant 0 : i32
      %dma_wait3A_97 = arith.constant 0 : i32
      %dma_wait3A_98 = tpu.memref_slice %arg7[%multiple_of3A_95, %dma_wait3A_97] : memref<384x128xf32, #tpu.memory_space<vmem>> -> memref<128x128xf32, #tpu.memory_space<vmem>>
      %dma_wait3A_99 = arith.constant 0 : i32
      %dma_wait3A_100 = tpu.memref_slice %arg6[%dma_wait3A_96, %dma_wait3A_99] : memref<50x128xi32, #tpu.memory_space<vmem>> -> memref<1x128xi32, #tpu.memory_space<vmem>>
      %dma_wait3A_101 = tpu.memref_squeeze %dma_wait3A_100 : memref<1x128xi32, #tpu.memory_space<vmem>> -> memref<128xi32, #tpu.memory_space<vmem>>
      %dma_wait3A_102 = arith.constant 0 : i32
      %dma_wait3A_103 = arith.constant 0 : i32
      %dma_wait3A_104 = tpu.memref_slice %arg3[%dma_wait3A_102, %dma_wait3A_103] : memref<250000x128xf32, #tpu.memory_space<hbm>> -> memref<250000x128xf32, #tpu.memory_space<hbm>>
      tpu.wait_indirect_dma semaphore(%arg9 : memref<!tpu.dma_semaphore, #tpu.memory_space<semaphore_mem>>) src(%dma_wait3A_104 : memref<250000x128xf32, #tpu.memory_space<hbm>>) dst(%dma_wait3A_98 : memref<128x128xf32, #tpu.memory_space<vmem>>)
      %ge3A = arith.constant 2 : i32
      %ge3A_105 = arith.cmpi sge, %sub3A_93, %ge3A : i32
      %convert_element_type3A_106 = arith.extui %ge3A_105 : i1 to i32
      %cond3A_107 = arith.constant 0 : i32
      %cond3A_108 = arith.cmpi ne, %convert_element_type3A_106, %cond3A_107 : i32
      scf.if %cond3A_108 {
        %dma_wait3A_130 = arith.constant 0 : i32
        %dma_wait3A_131 = arith.constant 0 : i32
        %dma_wait3A_132 = arith.constant 0 : i32
        %dma_wait3A_133 = arith.constant 0 : i32
        %dma_wait3A_134 = tpu.memref_slice %arg8[%dma_wait3A_130, %dma_wait3A_132, %dma_wait3A_133] : memref<2x32x128xf32, #tpu.memory_space<vmem>> -> memref<1x32x128xf32, #tpu.memory_space<vmem>>
        %dma_wait3A_135 = tpu.memref_squeeze %dma_wait3A_134 : memref<1x32x128xf32, #tpu.memory_space<vmem>> -> memref<32x128xf32, #tpu.memory_space<vmem>>
        %dma_wait3A_136 = arith.constant 0 : i32
        %dma_wait3A_137 = tpu.memref_slice %arg4[%dma_wait3A_131, %dma_wait3A_136, %multiple_of3A] : memref<50x32x4096xf32, #tpu.memory_space<hbm>> -> memref<1x32x128xf32, #tpu.memory_space<hbm>>
        %dma_wait3A_138 = tpu.memref_squeeze %dma_wait3A_137 : memref<1x32x128xf32, #tpu.memory_space<hbm>> -> memref<32x128xf32, #tpu.memory_space<hbm>>
        %dma_wait3A_139 = arith.constant 0 : i32
        %dma_wait3A_140 = tpu.memref_slice %arg4[%dma_wait3A_131, %dma_wait3A_139, %multiple_of3A] : memref<50x32x4096xf32, #tpu.memory_space<hbm>> -> memref<1x32x128xf32, #tpu.memory_space<hbm>>
        %dma_wait3A_141 = tpu.memref_squeeze %dma_wait3A_140 : memref<1x32x128xf32, #tpu.memory_space<hbm>> -> memref<32x128xf32, #tpu.memory_space<hbm>>
        %dma_wait3A_142 = arith.constant 0 : i32
        %dma_wait3A_143 = arith.constant 0 : i32
        %dma_wait3A_144 = tpu.memref_slice %arg8[%dma_wait3A_130, %dma_wait3A_142, %dma_wait3A_143] : memref<2x32x128xf32, #tpu.memory_space<vmem>> -> memref<1x32x128xf32, #tpu.memory_space<vmem>>
        %dma_wait3A_145 = tpu.memref_squeeze %dma_wait3A_144 : memref<1x32x128xf32, #tpu.memory_space<vmem>> -> memref<32x128xf32, #tpu.memory_space<vmem>>
        tpu.wait_dma2 semaphore(%arg10 : memref<!tpu.dma_semaphore, #tpu.memory_space<semaphore_mem>>) src(%dma_wait3A_145 : memref<32x128xf32, #tpu.memory_space<vmem>>) dst(%dma_wait3A_141 : memref<32x128xf32, #tpu.memory_space<hbm>>)
      } else {
      }
      %rem3A = arith.constant 3 : i32
      %rem3A_109 = arith.remsi %sub3A_93, %rem3A : i32
      %mul3A_110 = arith.constant 128 : i32
      %mul3A_111 = arith.muli %rem3A_109, %mul3A_110 : i32
      %rem3A_112 = arith.constant 2 : i32
      %rem3A_113 = arith.remsi %sub3A_93, %rem3A_112 : i32
      %parallel_loop3A = arith.constant 0 : i32
      %parallel_loop3A_114 = arith.constant 8 : i32
      %parallel_loop3A_115 = arith.constant 1 : i32
      scf.for %parallel_loop3A_130 = %parallel_loop3A to %parallel_loop3A_114 step %parallel_loop3A_115  : i32 {
        %parallel_loop3A_131 = arith.constant 16 : i32
        %parallel_loop3A_132 = arith.muli %parallel_loop3A_130, %parallel_loop3A_131 : i32
        %parallel_loop3A_133 = arith.index_cast %sub3A_93 : i32 to index
        %parallel_loop3A_134 = arith.index_cast %parallel_loop3A_132 : i32 to index
        %parallel_loop3A_135 = tpu.vector_load %arg5[%parallel_loop3A_133, %parallel_loop3A_134] {strides = array<i32>} : memref<50x128xi32, #tpu.memory_space<vmem>>, vector<16xi32>,
        %parallel_loop3A_136 = arith.constant 3 : i32
        %parallel_loop3A_137 = vector.broadcast %parallel_loop3A_136 : i32 to vector<16xi32>
        %parallel_loop3A_138 = arith.andi %parallel_loop3A_135, %parallel_loop3A_137 : vector<16xi32>
        %parallel_loop3A_139 = arith.constant 5 : i32
        %parallel_loop3A_140 = vector.broadcast %parallel_loop3A_139 : i32 to vector<16xi32>
        %parallel_loop3A_141 = arith.shli %parallel_loop3A_138, %parallel_loop3A_140 : vector<16xi32>
        %parallel_loop3A_142 = vector.broadcast %parallel_loop3A_132 : i32 to vector<16xi32>
        %parallel_loop3A_143 = arith.addi %iota3A, %parallel_loop3A_142 : vector<16xi32>
        %parallel_loop3A_144 = vector.broadcast %mul3A_111 : i32 to vector<16xi32>
        %parallel_loop3A_145 = arith.addi %parallel_loop3A_143, %parallel_loop3A_144 : vector<16xi32>
        %parallel_loop3A_146 = arith.constant 0 : i32
        %parallel_loop3A_147 = vector.broadcast %parallel_loop3A_146 : i32 to vector<16xi32>
        %parallel_loop3A_148 = arith.addi %parallel_loop3A_141, %parallel_loop3A_147 : vector<16xi32>
        %parallel_loop3A_149 = tpu.vector_load_idx %arg7[%parallel_loop3A_145, %parallel_loop3A_148] : memref<384x128xf32, #tpu.memory_space<vmem>>[vector<16xi32>, vector<16xi32>], vector<16xf32>,
        %parallel_loop3A_150 = arith.constant 1 : i32
        %parallel_loop3A_151 = vector.broadcast %parallel_loop3A_150 : i32 to vector<16xi32>
        %parallel_loop3A_152 = arith.addi %parallel_loop3A_141, %parallel_loop3A_151 : vector<16xi32>
        %parallel_loop3A_153 = tpu.vector_load_idx %arg7[%parallel_loop3A_145, %parallel_loop3A_152] : memref<384x128xf32, #tpu.memory_space<vmem>>[vector<16xi32>, vector<16xi32>], vector<16xf32>,
        %parallel_loop3A_154 = arith.constant 2 : i32
        %parallel_loop3A_155 = vector.broadcast %parallel_loop3A_154 : i32 to vector<16xi32>
        %parallel_loop3A_156 = arith.addi %parallel_loop3A_141, %parallel_loop3A_155 : vector<16xi32>
        %parallel_loop3A_157 = tpu.vector_load_idx %arg7[%parallel_loop3A_145, %parallel_loop3A_156] : memref<384x128xf32, #tpu.memory_space<vmem>>[vector<16xi32>, vector<16xi32>], vector<16xf32>,
        %parallel_loop3A_158 = arith.constant 3 : i32
        %parallel_loop3A_159 = vector.broadcast %parallel_loop3A_158 : i32 to vector<16xi32>
        %parallel_loop3A_160 = arith.addi %parallel_loop3A_141, %parallel_loop3A_159 : vector<16xi32>
        %parallel_loop3A_161 = tpu.vector_load_idx %arg7[%parallel_loop3A_145, %parallel_loop3A_160] : memref<384x128xf32, #tpu.memory_space<vmem>>[vector<16xi32>, vector<16xi32>], vector<16xf32>,
        %parallel_loop3A_162 = arith.constant 4 : i32
        %parallel_loop3A_163 = vector.broadcast %parallel_loop3A_162 : i32 to vector<16xi32>
        %parallel_loop3A_164 = arith.addi %parallel_loop3A_141, %parallel_loop3A_163 : vector<16xi32>
        %parallel_loop3A_165 = tpu.vector_load_idx %arg7[%parallel_loop3A_145, %parallel_loop3A_164] : memref<384x128xf32, #tpu.memory_space<vmem>>[vector<16xi32>, vector<16xi32>], vector<16xf32>,
        %parallel_loop3A_166 = arith.constant 5 : i32
        %parallel_loop3A_167 = vector.broadcast %parallel_loop3A_166 : i32 to vector<16xi32>
        %parallel_loop3A_168 = arith.addi %parallel_loop3A_141, %parallel_loop3A_167 : vector<16xi32>
        %parallel_loop3A_169 = tpu.vector_load_idx %arg7[%parallel_loop3A_145, %parallel_loop3A_168] : memref<384x128xf32, #tpu.memory_space<vmem>>[vector<16xi32>, vector<16xi32>], vector<16xf32>,
        %parallel_loop3A_170 = arith.constant 6 : i32
        %parallel_loop3A_171 = vector.broadcast %parallel_loop3A_170 : i32 to vector<16xi32>
        %parallel_loop3A_172 = arith.addi %parallel_loop3A_141, %parallel_loop3A_171 : vector<16xi32>
        %parallel_loop3A_173 = tpu.vector_load_idx %arg7[%parallel_loop3A_145, %parallel_loop3A_172] : memref<384x128xf32, #tpu.memory_space<vmem>>[vector<16xi32>, vector<16xi32>], vector<16xf32>,
        %parallel_loop3A_174 = arith.constant 7 : i32
        %parallel_loop3A_175 = vector.broadcast %parallel_loop3A_174 : i32 to vector<16xi32>
        %parallel_loop3A_176 = arith.addi %parallel_loop3A_141, %parallel_loop3A_175 : vector<16xi32>
        %parallel_loop3A_177 = tpu.vector_load_idx %arg7[%parallel_loop3A_145, %parallel_loop3A_176] : memref<384x128xf32, #tpu.memory_space<vmem>>[vector<16xi32>, vector<16xi32>], vector<16xf32>,
        %parallel_loop3A_178 = arith.constant 8 : i32
        %parallel_loop3A_179 = vector.broadcast %parallel_loop3A_178 : i32 to vector<16xi32>
        %parallel_loop3A_180 = arith.addi %parallel_loop3A_141, %parallel_loop3A_179 : vector<16xi32>
        %parallel_loop3A_181 = tpu.vector_load_idx %arg7[%parallel_loop3A_145, %parallel_loop3A_180] : memref<384x128xf32, #tpu.memory_space<vmem>>[vector<16xi32>, vector<16xi32>], vector<16xf32>,
        %parallel_loop3A_182 = arith.constant 9 : i32
        %parallel_loop3A_183 = vector.broadcast %parallel_loop3A_182 : i32 to vector<16xi32>
        %parallel_loop3A_184 = arith.addi %parallel_loop3A_141, %parallel_loop3A_183 : vector<16xi32>
        %parallel_loop3A_185 = tpu.vector_load_idx %arg7[%parallel_loop3A_145, %parallel_loop3A_184] : memref<384x128xf32, #tpu.memory_space<vmem>>[vector<16xi32>, vector<16xi32>], vector<16xf32>,
        %parallel_loop3A_186 = arith.constant 10 : i32
        %parallel_loop3A_187 = vector.broadcast %parallel_loop3A_186 : i32 to vector<16xi32>
        %parallel_loop3A_188 = arith.addi %parallel_loop3A_141, %parallel_loop3A_187 : vector<16xi32>
        %parallel_loop3A_189 = tpu.vector_load_idx %arg7[%parallel_loop3A_145, %parallel_loop3A_188] : memref<384x128xf32, #tpu.memory_space<vmem>>[vector<16xi32>, vector<16xi32>], vector<16xf32>,
        %parallel_loop3A_190 = arith.constant 11 : i32
        %parallel_loop3A_191 = vector.broadcast %parallel_loop3A_190 : i32 to vector<16xi32>
        %parallel_loop3A_192 = arith.addi %parallel_loop3A_141, %parallel_loop3A_191 : vector<16xi32>
        %parallel_loop3A_193 = tpu.vector_load_idx %arg7[%parallel_loop3A_145, %parallel_loop3A_192] : memref<384x128xf32, #tpu.memory_space<vmem>>[vector<16xi32>, vector<16xi32>], vector<16xf32>,
        %parallel_loop3A_194 = arith.constant 12 : i32
        %parallel_loop3A_195 = vector.broadcast %parallel_loop3A_194 : i32 to vector<16xi32>
        %parallel_loop3A_196 = arith.addi %parallel_loop3A_141, %parallel_loop3A_195 : vector<16xi32>
        %parallel_loop3A_197 = tpu.vector_load_idx %arg7[%parallel_loop3A_145, %parallel_loop3A_196] : memref<384x128xf32, #tpu.memory_space<vmem>>[vector<16xi32>, vector<16xi32>], vector<16xf32>,
        %parallel_loop3A_198 = arith.constant 13 : i32
        %parallel_loop3A_199 = vector.broadcast %parallel_loop3A_198 : i32 to vector<16xi32>
        %parallel_loop3A_200 = arith.addi %parallel_loop3A_141, %parallel_loop3A_199 : vector<16xi32>
        %parallel_loop3A_201 = tpu.vector_load_idx %arg7[%parallel_loop3A_145, %parallel_loop3A_200] : memref<384x128xf32, #tpu.memory_space<vmem>>[vector<16xi32>, vector<16xi32>], vector<16xf32>,
        %parallel_loop3A_202 = arith.constant 14 : i32
        %parallel_loop3A_203 = vector.broadcast %parallel_loop3A_202 : i32 to vector<16xi32>
        %parallel_loop3A_204 = arith.addi %parallel_loop3A_141, %parallel_loop3A_203 : vector<16xi32>
        %parallel_loop3A_205 = tpu.vector_load_idx %arg7[%parallel_loop3A_145, %parallel_loop3A_204] : memref<384x128xf32, #tpu.memory_space<vmem>>[vector<16xi32>, vector<16xi32>], vector<16xf32>,
        %parallel_loop3A_206 = arith.constant 15 : i32
        %parallel_loop3A_207 = vector.broadcast %parallel_loop3A_206 : i32 to vector<16xi32>
        %parallel_loop3A_208 = arith.addi %parallel_loop3A_141, %parallel_loop3A_207 : vector<16xi32>
        %parallel_loop3A_209 = tpu.vector_load_idx %arg7[%parallel_loop3A_145, %parallel_loop3A_208] : memref<384x128xf32, #tpu.memory_space<vmem>>[vector<16xi32>, vector<16xi32>], vector<16xf32>,
        %parallel_loop3A_210 = arith.constant 16 : i32
        %parallel_loop3A_211 = vector.broadcast %parallel_loop3A_210 : i32 to vector<16xi32>
        %parallel_loop3A_212 = arith.addi %parallel_loop3A_141, %parallel_loop3A_211 : vector<16xi32>
        %parallel_loop3A_213 = tpu.vector_load_idx %arg7[%parallel_loop3A_145, %parallel_loop3A_212] : memref<384x128xf32, #tpu.memory_space<vmem>>[vector<16xi32>, vector<16xi32>], vector<16xf32>,
        %parallel_loop3A_214 = arith.constant 17 : i32
        %parallel_loop3A_215 = vector.broadcast %parallel_loop3A_214 : i32 to vector<16xi32>
        %parallel_loop3A_216 = arith.addi %parallel_loop3A_141, %parallel_loop3A_215 : vector<16xi32>
        %parallel_loop3A_217 = tpu.vector_load_idx %arg7[%parallel_loop3A_145, %parallel_loop3A_216] : memref<384x128xf32, #tpu.memory_space<vmem>>[vector<16xi32>, vector<16xi32>], vector<16xf32>,
        %parallel_loop3A_218 = arith.constant 18 : i32
        %parallel_loop3A_219 = vector.broadcast %parallel_loop3A_218 : i32 to vector<16xi32>
        %parallel_loop3A_220 = arith.addi %parallel_loop3A_141, %parallel_loop3A_219 : vector<16xi32>
        %parallel_loop3A_221 = tpu.vector_load_idx %arg7[%parallel_loop3A_145, %parallel_loop3A_220] : memref<384x128xf32, #tpu.memory_space<vmem>>[vector<16xi32>, vector<16xi32>], vector<16xf32>,
        %parallel_loop3A_222 = arith.constant 19 : i32
        %parallel_loop3A_223 = vector.broadcast %parallel_loop3A_222 : i32 to vector<16xi32>
        %parallel_loop3A_224 = arith.addi %parallel_loop3A_141, %parallel_loop3A_223 : vector<16xi32>
        %parallel_loop3A_225 = tpu.vector_load_idx %arg7[%parallel_loop3A_145, %parallel_loop3A_224] : memref<384x128xf32, #tpu.memory_space<vmem>>[vector<16xi32>, vector<16xi32>], vector<16xf32>,
        %parallel_loop3A_226 = arith.constant 20 : i32
        %parallel_loop3A_227 = vector.broadcast %parallel_loop3A_226 : i32 to vector<16xi32>
        %parallel_loop3A_228 = arith.addi %parallel_loop3A_141, %parallel_loop3A_227 : vector<16xi32>
        %parallel_loop3A_229 = tpu.vector_load_idx %arg7[%parallel_loop3A_145, %parallel_loop3A_228] : memref<384x128xf32, #tpu.memory_space<vmem>>[vector<16xi32>, vector<16xi32>], vector<16xf32>,
        %parallel_loop3A_230 = arith.constant 21 : i32
        %parallel_loop3A_231 = vector.broadcast %parallel_loop3A_230 : i32 to vector<16xi32>
        %parallel_loop3A_232 = arith.addi %parallel_loop3A_141, %parallel_loop3A_231 : vector<16xi32>
        %parallel_loop3A_233 = tpu.vector_load_idx %arg7[%parallel_loop3A_145, %parallel_loop3A_232] : memref<384x128xf32, #tpu.memory_space<vmem>>[vector<16xi32>, vector<16xi32>], vector<16xf32>,
        %parallel_loop3A_234 = arith.constant 22 : i32
        %parallel_loop3A_235 = vector.broadcast %parallel_loop3A_234 : i32 to vector<16xi32>
        %parallel_loop3A_236 = arith.addi %parallel_loop3A_141, %parallel_loop3A_235 : vector<16xi32>
        %parallel_loop3A_237 = tpu.vector_load_idx %arg7[%parallel_loop3A_145, %parallel_loop3A_236] : memref<384x128xf32, #tpu.memory_space<vmem>>[vector<16xi32>, vector<16xi32>], vector<16xf32>,
        %parallel_loop3A_238 = arith.constant 23 : i32
        %parallel_loop3A_239 = vector.broadcast %parallel_loop3A_238 : i32 to vector<16xi32>
        %parallel_loop3A_240 = arith.addi %parallel_loop3A_141, %parallel_loop3A_239 : vector<16xi32>
        %parallel_loop3A_241 = tpu.vector_load_idx %arg7[%parallel_loop3A_145, %parallel_loop3A_240] : memref<384x128xf32, #tpu.memory_space<vmem>>[vector<16xi32>, vector<16xi32>], vector<16xf32>,
        %parallel_loop3A_242 = arith.constant 24 : i32
        %parallel_loop3A_243 = vector.broadcast %parallel_loop3A_242 : i32 to vector<16xi32>
        %parallel_loop3A_244 = arith.addi %parallel_loop3A_141, %parallel_loop3A_243 : vector<16xi32>
        %parallel_loop3A_245 = tpu.vector_load_idx %arg7[%parallel_loop3A_145, %parallel_loop3A_244] : memref<384x128xf32, #tpu.memory_space<vmem>>[vector<16xi32>, vector<16xi32>], vector<16xf32>,
        %parallel_loop3A_246 = arith.constant 25 : i32
        %parallel_loop3A_247 = vector.broadcast %parallel_loop3A_246 : i32 to vector<16xi32>
        %parallel_loop3A_248 = arith.addi %parallel_loop3A_141, %parallel_loop3A_247 : vector<16xi32>
        %parallel_loop3A_249 = tpu.vector_load_idx %arg7[%parallel_loop3A_145, %parallel_loop3A_248] : memref<384x128xf32, #tpu.memory_space<vmem>>[vector<16xi32>, vector<16xi32>], vector<16xf32>,
        %parallel_loop3A_250 = arith.constant 26 : i32
        %parallel_loop3A_251 = vector.broadcast %parallel_loop3A_250 : i32 to vector<16xi32>
        %parallel_loop3A_252 = arith.addi %parallel_loop3A_141, %parallel_loop3A_251 : vector<16xi32>
        %parallel_loop3A_253 = tpu.vector_load_idx %arg7[%parallel_loop3A_145, %parallel_loop3A_252] : memref<384x128xf32, #tpu.memory_space<vmem>>[vector<16xi32>, vector<16xi32>], vector<16xf32>,
        %parallel_loop3A_254 = arith.constant 27 : i32
        %parallel_loop3A_255 = vector.broadcast %parallel_loop3A_254 : i32 to vector<16xi32>
        %parallel_loop3A_256 = arith.addi %parallel_loop3A_141, %parallel_loop3A_255 : vector<16xi32>
        %parallel_loop3A_257 = tpu.vector_load_idx %arg7[%parallel_loop3A_145, %parallel_loop3A_256] : memref<384x128xf32, #tpu.memory_space<vmem>>[vector<16xi32>, vector<16xi32>], vector<16xf32>,
        %parallel_loop3A_258 = arith.constant 28 : i32
        %parallel_loop3A_259 = vector.broadcast %parallel_loop3A_258 : i32 to vector<16xi32>
        %parallel_loop3A_260 = arith.addi %parallel_loop3A_141, %parallel_loop3A_259 : vector<16xi32>
        %parallel_loop3A_261 = tpu.vector_load_idx %arg7[%parallel_loop3A_145, %parallel_loop3A_260] : memref<384x128xf32, #tpu.memory_space<vmem>>[vector<16xi32>, vector<16xi32>], vector<16xf32>,
        %parallel_loop3A_262 = arith.constant 29 : i32
        %parallel_loop3A_263 = vector.broadcast %parallel_loop3A_262 : i32 to vector<16xi32>
        %parallel_loop3A_264 = arith.addi %parallel_loop3A_141, %parallel_loop3A_263 : vector<16xi32>
        %parallel_loop3A_265 = tpu.vector_load_idx %arg7[%parallel_loop3A_145, %parallel_loop3A_264] : memref<384x128xf32, #tpu.memory_space<vmem>>[vector<16xi32>, vector<16xi32>], vector<16xf32>,
        %parallel_loop3A_266 = arith.constant 30 : i32
        %parallel_loop3A_267 = vector.broadcast %parallel_loop3A_266 : i32 to vector<16xi32>
        %parallel_loop3A_268 = arith.addi %parallel_loop3A_141, %parallel_loop3A_267 : vector<16xi32>
        %parallel_loop3A_269 = tpu.vector_load_idx %arg7[%parallel_loop3A_145, %parallel_loop3A_268] : memref<384x128xf32, #tpu.memory_space<vmem>>[vector<16xi32>, vector<16xi32>], vector<16xf32>,
        %parallel_loop3A_270 = arith.constant 31 : i32
        %parallel_loop3A_271 = vector.broadcast %parallel_loop3A_270 : i32 to vector<16xi32>
        %parallel_loop3A_272 = arith.addi %parallel_loop3A_141, %parallel_loop3A_271 : vector<16xi32>
        %parallel_loop3A_273 = tpu.vector_load_idx %arg7[%parallel_loop3A_145, %parallel_loop3A_272] : memref<384x128xf32, #tpu.memory_space<vmem>>[vector<16xi32>, vector<16xi32>], vector<16xf32>,
        %parallel_loop3A_274 = arith.constant 0 : i32
        %parallel_loop3A_275 = arith.index_cast %rem3A_113 : i32 to index
        %parallel_loop3A_276 = arith.index_cast %parallel_loop3A_274 : i32 to index
        %parallel_loop3A_277 = arith.index_cast %parallel_loop3A_132 : i32 to index
        %parallel_loop3A_278 = tpu.vector_load %arg8[%parallel_loop3A_275, %parallel_loop3A_276, %parallel_loop3A_277] {strides = array<i32>} : memref<2x32x128xf32, #tpu.memory_space<vmem>>, vector<16xf32>,
        tpu.vector_store %arg8[%parallel_loop3A_275, %parallel_loop3A_276, %parallel_loop3A_277], %parallel_loop3A_149 {strides = array<i32>} : memref<2x32x128xf32, #tpu.memory_space<vmem>>, vector<16xf32>,
        %parallel_loop3A_279 = arith.constant 1 : i32
        %parallel_loop3A_280 = arith.index_cast %rem3A_113 : i32 to index
        %parallel_loop3A_281 = arith.index_cast %parallel_loop3A_279 : i32 to index
        %parallel_loop3A_282 = arith.index_cast %parallel_loop3A_132 : i32 to index
        %parallel_loop3A_283 = tpu.vector_load %arg8[%parallel_loop3A_280, %parallel_loop3A_281, %parallel_loop3A_282] {strides = array<i32>} : memref<2x32x128xf32, #tpu.memory_space<vmem>>, vector<16xf32>,
        tpu.vector_store %arg8[%parallel_loop3A_280, %parallel_loop3A_281, %parallel_loop3A_282], %parallel_loop3A_153 {strides = array<i32>} : memref<2x32x128xf32, #tpu.memory_space<vmem>>, vector<16xf32>,
        %parallel_loop3A_284 = arith.constant 2 : i32
        %parallel_loop3A_285 = arith.index_cast %rem3A_113 : i32 to index
        %parallel_loop3A_286 = arith.index_cast %parallel_loop3A_284 : i32 to index
        %parallel_loop3A_287 = arith.index_cast %parallel_loop3A_132 : i32 to index
        %parallel_loop3A_288 = tpu.vector_load %arg8[%parallel_loop3A_285, %parallel_loop3A_286, %parallel_loop3A_287] {strides = array<i32>} : memref<2x32x128xf32, #tpu.memory_space<vmem>>, vector<16xf32>,
        tpu.vector_store %arg8[%parallel_loop3A_285, %parallel_loop3A_286, %parallel_loop3A_287], %parallel_loop3A_157 {strides = array<i32>} : memref<2x32x128xf32, #tpu.memory_space<vmem>>, vector<16xf32>,
        %parallel_loop3A_289 = arith.constant 3 : i32
        %parallel_loop3A_290 = arith.index_cast %rem3A_113 : i32 to index
        %parallel_loop3A_291 = arith.index_cast %parallel_loop3A_289 : i32 to index
        %parallel_loop3A_292 = arith.index_cast %parallel_loop3A_132 : i32 to index
        %parallel_loop3A_293 = tpu.vector_load %arg8[%parallel_loop3A_290, %parallel_loop3A_291, %parallel_loop3A_292] {strides = array<i32>} : memref<2x32x128xf32, #tpu.memory_space<vmem>>, vector<16xf32>,
        tpu.vector_store %arg8[%parallel_loop3A_290, %parallel_loop3A_291, %parallel_loop3A_292], %parallel_loop3A_161 {strides = array<i32>} : memref<2x32x128xf32, #tpu.memory_space<vmem>>, vector<16xf32>,
        %parallel_loop3A_294 = arith.constant 4 : i32
        %parallel_loop3A_295 = arith.index_cast %rem3A_113 : i32 to index
        %parallel_loop3A_296 = arith.index_cast %parallel_loop3A_294 : i32 to index
        %parallel_loop3A_297 = arith.index_cast %parallel_loop3A_132 : i32 to index
        %parallel_loop3A_298 = tpu.vector_load %arg8[%parallel_loop3A_295, %parallel_loop3A_296, %parallel_loop3A_297] {strides = array<i32>} : memref<2x32x128xf32, #tpu.memory_space<vmem>>, vector<16xf32>,
        tpu.vector_store %arg8[%parallel_loop3A_295, %parallel_loop3A_296, %parallel_loop3A_297], %parallel_loop3A_165 {strides = array<i32>} : memref<2x32x128xf32, #tpu.memory_space<vmem>>, vector<16xf32>,
        %parallel_loop3A_299 = arith.constant 5 : i32
        %parallel_loop3A_300 = arith.index_cast %rem3A_113 : i32 to index
        %parallel_loop3A_301 = arith.index_cast %parallel_loop3A_299 : i32 to index
        %parallel_loop3A_302 = arith.index_cast %parallel_loop3A_132 : i32 to index
        %parallel_loop3A_303 = tpu.vector_load %arg8[%parallel_loop3A_300, %parallel_loop3A_301, %parallel_loop3A_302] {strides = array<i32>} : memref<2x32x128xf32, #tpu.memory_space<vmem>>, vector<16xf32>,
        tpu.vector_store %arg8[%parallel_loop3A_300, %parallel_loop3A_301, %parallel_loop3A_302], %parallel_loop3A_169 {strides = array<i32>} : memref<2x32x128xf32, #tpu.memory_space<vmem>>, vector<16xf32>,
        %parallel_loop3A_304 = arith.constant 6 : i32
        %parallel_loop3A_305 = arith.index_cast %rem3A_113 : i32 to index
        %parallel_loop3A_306 = arith.index_cast %parallel_loop3A_304 : i32 to index
        %parallel_loop3A_307 = arith.index_cast %parallel_loop3A_132 : i32 to index
        %parallel_loop3A_308 = tpu.vector_load %arg8[%parallel_loop3A_305, %parallel_loop3A_306, %parallel_loop3A_307] {strides = array<i32>} : memref<2x32x128xf32, #tpu.memory_space<vmem>>, vector<16xf32>,
        tpu.vector_store %arg8[%parallel_loop3A_305, %parallel_loop3A_306, %parallel_loop3A_307], %parallel_loop3A_173 {strides = array<i32>} : memref<2x32x128xf32, #tpu.memory_space<vmem>>, vector<16xf32>,
        %parallel_loop3A_309 = arith.constant 7 : i32
        %parallel_loop3A_310 = arith.index_cast %rem3A_113 : i32 to index
        %parallel_loop3A_311 = arith.index_cast %parallel_loop3A_309 : i32 to index
        %parallel_loop3A_312 = arith.index_cast %parallel_loop3A_132 : i32 to index
        %parallel_loop3A_313 = tpu.vector_load %arg8[%parallel_loop3A_310, %parallel_loop3A_311, %parallel_loop3A_312] {strides = array<i32>} : memref<2x32x128xf32, #tpu.memory_space<vmem>>, vector<16xf32>,
        tpu.vector_store %arg8[%parallel_loop3A_310, %parallel_loop3A_311, %parallel_loop3A_312], %parallel_loop3A_177 {strides = array<i32>} : memref<2x32x128xf32, #tpu.memory_space<vmem>>, vector<16xf32>,
        %parallel_loop3A_314 = arith.constant 8 : i32
        %parallel_loop3A_315 = arith.index_cast %rem3A_113 : i32 to index
        %parallel_loop3A_316 = arith.index_cast %parallel_loop3A_314 : i32 to index
        %parallel_loop3A_317 = arith.index_cast %parallel_loop3A_132 : i32 to index
        %parallel_loop3A_318 = tpu.vector_load %arg8[%parallel_loop3A_315, %parallel_loop3A_316, %parallel_loop3A_317] {strides = array<i32>} : memref<2x32x128xf32, #tpu.memory_space<vmem>>, vector<16xf32>,
        tpu.vector_store %arg8[%parallel_loop3A_315, %parallel_loop3A_316, %parallel_loop3A_317], %parallel_loop3A_181 {strides = array<i32>} : memref<2x32x128xf32, #tpu.memory_space<vmem>>, vector<16xf32>,
        %parallel_loop3A_319 = arith.constant 9 : i32
        %parallel_loop3A_320 = arith.index_cast %rem3A_113 : i32 to index
        %parallel_loop3A_321 = arith.index_cast %parallel_loop3A_319 : i32 to index
        %parallel_loop3A_322 = arith.index_cast %parallel_loop3A_132 : i32 to index
        %parallel_loop3A_323 = tpu.vector_load %arg8[%parallel_loop3A_320, %parallel_loop3A_321, %parallel_loop3A_322] {strides = array<i32>} : memref<2x32x128xf32, #tpu.memory_space<vmem>>, vector<16xf32>,
        tpu.vector_store %arg8[%parallel_loop3A_320, %parallel_loop3A_321, %parallel_loop3A_322], %parallel_loop3A_185 {strides = array<i32>} : memref<2x32x128xf32, #tpu.memory_space<vmem>>, vector<16xf32>,
        %parallel_loop3A_324 = arith.constant 10 : i32
        %parallel_loop3A_325 = arith.index_cast %rem3A_113 : i32 to index
        %parallel_loop3A_326 = arith.index_cast %parallel_loop3A_324 : i32 to index
        %parallel_loop3A_327 = arith.index_cast %parallel_loop3A_132 : i32 to index
        %parallel_loop3A_328 = tpu.vector_load %arg8[%parallel_loop3A_325, %parallel_loop3A_326, %parallel_loop3A_327] {strides = array<i32>} : memref<2x32x128xf32, #tpu.memory_space<vmem>>, vector<16xf32>,
        tpu.vector_store %arg8[%parallel_loop3A_325, %parallel_loop3A_326, %parallel_loop3A_327], %parallel_loop3A_189 {strides = array<i32>} : memref<2x32x128xf32, #tpu.memory_space<vmem>>, vector<16xf32>,
        %parallel_loop3A_329 = arith.constant 11 : i32
        %parallel_loop3A_330 = arith.index_cast %rem3A_113 : i32 to index
        %parallel_loop3A_331 = arith.index_cast %parallel_loop3A_329 : i32 to index
        %parallel_loop3A_332 = arith.index_cast %parallel_loop3A_132 : i32 to index
        %parallel_loop3A_333 = tpu.vector_load %arg8[%parallel_loop3A_330, %parallel_loop3A_331, %parallel_loop3A_332] {strides = array<i32>} : memref<2x32x128xf32, #tpu.memory_space<vmem>>, vector<16xf32>,
        tpu.vector_store %arg8[%parallel_loop3A_330, %parallel_loop3A_331, %parallel_loop3A_332], %parallel_loop3A_193 {strides = array<i32>} : memref<2x32x128xf32, #tpu.memory_space<vmem>>, vector<16xf32>,
        %parallel_loop3A_334 = arith.constant 12 : i32
        %parallel_loop3A_335 = arith.index_cast %rem3A_113 : i32 to index
        %parallel_loop3A_336 = arith.index_cast %parallel_loop3A_334 : i32 to index
        %parallel_loop3A_337 = arith.index_cast %parallel_loop3A_132 : i32 to index
        %parallel_loop3A_338 = tpu.vector_load %arg8[%parallel_loop3A_335, %parallel_loop3A_336, %parallel_loop3A_337] {strides = array<i32>} : memref<2x32x128xf32, #tpu.memory_space<vmem>>, vector<16xf32>,
        tpu.vector_store %arg8[%parallel_loop3A_335, %parallel_loop3A_336, %parallel_loop3A_337], %parallel_loop3A_197 {strides = array<i32>} : memref<2x32x128xf32, #tpu.memory_space<vmem>>, vector<16xf32>,
        %parallel_loop3A_339 = arith.constant 13 : i32
        %parallel_loop3A_340 = arith.index_cast %rem3A_113 : i32 to index
        %parallel_loop3A_341 = arith.index_cast %parallel_loop3A_339 : i32 to index
        %parallel_loop3A_342 = arith.index_cast %parallel_loop3A_132 : i32 to index
        %parallel_loop3A_343 = tpu.vector_load %arg8[%parallel_loop3A_340, %parallel_loop3A_341, %parallel_loop3A_342] {strides = array<i32>} : memref<2x32x128xf32, #tpu.memory_space<vmem>>, vector<16xf32>,
        tpu.vector_store %arg8[%parallel_loop3A_340, %parallel_loop3A_341, %parallel_loop3A_342], %parallel_loop3A_201 {strides = array<i32>} : memref<2x32x128xf32, #tpu.memory_space<vmem>>, vector<16xf32>,
        %parallel_loop3A_344 = arith.constant 14 : i32
        %parallel_loop3A_345 = arith.index_cast %rem3A_113 : i32 to index
        %parallel_loop3A_346 = arith.index_cast %parallel_loop3A_344 : i32 to index
        %parallel_loop3A_347 = arith.index_cast %parallel_loop3A_132 : i32 to index
        %parallel_loop3A_348 = tpu.vector_load %arg8[%parallel_loop3A_345, %parallel_loop3A_346, %parallel_loop3A_347] {strides = array<i32>} : memref<2x32x128xf32, #tpu.memory_space<vmem>>, vector<16xf32>,
        tpu.vector_store %arg8[%parallel_loop3A_345, %parallel_loop3A_346, %parallel_loop3A_347], %parallel_loop3A_205 {strides = array<i32>} : memref<2x32x128xf32, #tpu.memory_space<vmem>>, vector<16xf32>,
        %parallel_loop3A_349 = arith.constant 15 : i32
        %parallel_loop3A_350 = arith.index_cast %rem3A_113 : i32 to index
        %parallel_loop3A_351 = arith.index_cast %parallel_loop3A_349 : i32 to index
        %parallel_loop3A_352 = arith.index_cast %parallel_loop3A_132 : i32 to index
        %parallel_loop3A_353 = tpu.vector_load %arg8[%parallel_loop3A_350, %parallel_loop3A_351, %parallel_loop3A_352] {strides = array<i32>} : memref<2x32x128xf32, #tpu.memory_space<vmem>>, vector<16xf32>,
        tpu.vector_store %arg8[%parallel_loop3A_350, %parallel_loop3A_351, %parallel_loop3A_352], %parallel_loop3A_209 {strides = array<i32>} : memref<2x32x128xf32, #tpu.memory_space<vmem>>, vector<16xf32>,
        %parallel_loop3A_354 = arith.constant 16 : i32
        %parallel_loop3A_355 = arith.index_cast %rem3A_113 : i32 to index
        %parallel_loop3A_356 = arith.index_cast %parallel_loop3A_354 : i32 to index
        %parallel_loop3A_357 = arith.index_cast %parallel_loop3A_132 : i32 to index
        %parallel_loop3A_358 = tpu.vector_load %arg8[%parallel_loop3A_355, %parallel_loop3A_356, %parallel_loop3A_357] {strides = array<i32>} : memref<2x32x128xf32, #tpu.memory_space<vmem>>, vector<16xf32>,
        tpu.vector_store %arg8[%parallel_loop3A_355, %parallel_loop3A_356, %parallel_loop3A_357], %parallel_loop3A_213 {strides = array<i32>} : memref<2x32x128xf32, #tpu.memory_space<vmem>>, vector<16xf32>,
        %parallel_loop3A_359 = arith.constant 17 : i32
        %parallel_loop3A_360 = arith.index_cast %rem3A_113 : i32 to index
        %parallel_loop3A_361 = arith.index_cast %parallel_loop3A_359 : i32 to index
        %parallel_loop3A_362 = arith.index_cast %parallel_loop3A_132 : i32 to index
        %parallel_loop3A_363 = tpu.vector_load %arg8[%parallel_loop3A_360, %parallel_loop3A_361, %parallel_loop3A_362] {strides = array<i32>} : memref<2x32x128xf32, #tpu.memory_space<vmem>>, vector<16xf32>,
        tpu.vector_store %arg8[%parallel_loop3A_360, %parallel_loop3A_361, %parallel_loop3A_362], %parallel_loop3A_217 {strides = array<i32>} : memref<2x32x128xf32, #tpu.memory_space<vmem>>, vector<16xf32>,
        %parallel_loop3A_364 = arith.constant 18 : i32
        %parallel_loop3A_365 = arith.index_cast %rem3A_113 : i32 to index
        %parallel_loop3A_366 = arith.index_cast %parallel_loop3A_364 : i32 to index
        %parallel_loop3A_367 = arith.index_cast %parallel_loop3A_132 : i32 to index
        %parallel_loop3A_368 = tpu.vector_load %arg8[%parallel_loop3A_365, %parallel_loop3A_366, %parallel_loop3A_367] {strides = array<i32>} : memref<2x32x128xf32, #tpu.memory_space<vmem>>, vector<16xf32>,
        tpu.vector_store %arg8[%parallel_loop3A_365, %parallel_loop3A_366, %parallel_loop3A_367], %parallel_loop3A_221 {strides = array<i32>} : memref<2x32x128xf32, #tpu.memory_space<vmem>>, vector<16xf32>,
        %parallel_loop3A_369 = arith.constant 19 : i32
        %parallel_loop3A_370 = arith.index_cast %rem3A_113 : i32 to index
        %parallel_loop3A_371 = arith.index_cast %parallel_loop3A_369 : i32 to index
        %parallel_loop3A_372 = arith.index_cast %parallel_loop3A_132 : i32 to index
        %parallel_loop3A_373 = tpu.vector_load %arg8[%parallel_loop3A_370, %parallel_loop3A_371, %parallel_loop3A_372] {strides = array<i32>} : memref<2x32x128xf32, #tpu.memory_space<vmem>>, vector<16xf32>,
        tpu.vector_store %arg8[%parallel_loop3A_370, %parallel_loop3A_371, %parallel_loop3A_372], %parallel_loop3A_225 {strides = array<i32>} : memref<2x32x128xf32, #tpu.memory_space<vmem>>, vector<16xf32>,
        %parallel_loop3A_374 = arith.constant 20 : i32
        %parallel_loop3A_375 = arith.index_cast %rem3A_113 : i32 to index
        %parallel_loop3A_376 = arith.index_cast %parallel_loop3A_374 : i32 to index
        %parallel_loop3A_377 = arith.index_cast %parallel_loop3A_132 : i32 to index
        %parallel_loop3A_378 = tpu.vector_load %arg8[%parallel_loop3A_375, %parallel_loop3A_376, %parallel_loop3A_377] {strides = array<i32>} : memref<2x32x128xf32, #tpu.memory_space<vmem>>, vector<16xf32>,
        tpu.vector_store %arg8[%parallel_loop3A_375, %parallel_loop3A_376, %parallel_loop3A_377], %parallel_loop3A_229 {strides = array<i32>} : memref<2x32x128xf32, #tpu.memory_space<vmem>>, vector<16xf32>,
        %parallel_loop3A_379 = arith.constant 21 : i32
        %parallel_loop3A_380 = arith.index_cast %rem3A_113 : i32 to index
        %parallel_loop3A_381 = arith.index_cast %parallel_loop3A_379 : i32 to index
        %parallel_loop3A_382 = arith.index_cast %parallel_loop3A_132 : i32 to index
        %parallel_loop3A_383 = tpu.vector_load %arg8[%parallel_loop3A_380, %parallel_loop3A_381, %parallel_loop3A_382] {strides = array<i32>} : memref<2x32x128xf32, #tpu.memory_space<vmem>>, vector<16xf32>,
        tpu.vector_store %arg8[%parallel_loop3A_380, %parallel_loop3A_381, %parallel_loop3A_382], %parallel_loop3A_233 {strides = array<i32>} : memref<2x32x128xf32, #tpu.memory_space<vmem>>, vector<16xf32>,
        %parallel_loop3A_384 = arith.constant 22 : i32
        %parallel_loop3A_385 = arith.index_cast %rem3A_113 : i32 to index
        %parallel_loop3A_386 = arith.index_cast %parallel_loop3A_384 : i32 to index
        %parallel_loop3A_387 = arith.index_cast %parallel_loop3A_132 : i32 to index
        %parallel_loop3A_388 = tpu.vector_load %arg8[%parallel_loop3A_385, %parallel_loop3A_386, %parallel_loop3A_387] {strides = array<i32>} : memref<2x32x128xf32, #tpu.memory_space<vmem>>, vector<16xf32>,
        tpu.vector_store %arg8[%parallel_loop3A_385, %parallel_loop3A_386, %parallel_loop3A_387], %parallel_loop3A_237 {strides = array<i32>} : memref<2x32x128xf32, #tpu.memory_space<vmem>>, vector<16xf32>,
        %parallel_loop3A_389 = arith.constant 23 : i32
        %parallel_loop3A_390 = arith.index_cast %rem3A_113 : i32 to index
        %parallel_loop3A_391 = arith.index_cast %parallel_loop3A_389 : i32 to index
        %parallel_loop3A_392 = arith.index_cast %parallel_loop3A_132 : i32 to index
        %parallel_loop3A_393 = tpu.vector_load %arg8[%parallel_loop3A_390, %parallel_loop3A_391, %parallel_loop3A_392] {strides = array<i32>} : memref<2x32x128xf32, #tpu.memory_space<vmem>>, vector<16xf32>,
        tpu.vector_store %arg8[%parallel_loop3A_390, %parallel_loop3A_391, %parallel_loop3A_392], %parallel_loop3A_241 {strides = array<i32>} : memref<2x32x128xf32, #tpu.memory_space<vmem>>, vector<16xf32>,
        %parallel_loop3A_394 = arith.constant 24 : i32
        %parallel_loop3A_395 = arith.index_cast %rem3A_113 : i32 to index
        %parallel_loop3A_396 = arith.index_cast %parallel_loop3A_394 : i32 to index
        %parallel_loop3A_397 = arith.index_cast %parallel_loop3A_132 : i32 to index
        %parallel_loop3A_398 = tpu.vector_load %arg8[%parallel_loop3A_395, %parallel_loop3A_396, %parallel_loop3A_397] {strides = array<i32>} : memref<2x32x128xf32, #tpu.memory_space<vmem>>, vector<16xf32>,
        tpu.vector_store %arg8[%parallel_loop3A_395, %parallel_loop3A_396, %parallel_loop3A_397], %parallel_loop3A_245 {strides = array<i32>} : memref<2x32x128xf32, #tpu.memory_space<vmem>>, vector<16xf32>,
        %parallel_loop3A_399 = arith.constant 25 : i32
        %parallel_loop3A_400 = arith.index_cast %rem3A_113 : i32 to index
        %parallel_loop3A_401 = arith.index_cast %parallel_loop3A_399 : i32 to index
        %parallel_loop3A_402 = arith.index_cast %parallel_loop3A_132 : i32 to index
        %parallel_loop3A_403 = tpu.vector_load %arg8[%parallel_loop3A_400, %parallel_loop3A_401, %parallel_loop3A_402] {strides = array<i32>} : memref<2x32x128xf32, #tpu.memory_space<vmem>>, vector<16xf32>,
        tpu.vector_store %arg8[%parallel_loop3A_400, %parallel_loop3A_401, %parallel_loop3A_402], %parallel_loop3A_249 {strides = array<i32>} : memref<2x32x128xf32, #tpu.memory_space<vmem>>, vector<16xf32>,
        %parallel_loop3A_404 = arith.constant 26 : i32
        %parallel_loop3A_405 = arith.index_cast %rem3A_113 : i32 to index
        %parallel_loop3A_406 = arith.index_cast %parallel_loop3A_404 : i32 to index
        %parallel_loop3A_407 = arith.index_cast %parallel_loop3A_132 : i32 to index
        %parallel_loop3A_408 = tpu.vector_load %arg8[%parallel_loop3A_405, %parallel_loop3A_406, %parallel_loop3A_407] {strides = array<i32>} : memref<2x32x128xf32, #tpu.memory_space<vmem>>, vector<16xf32>,
        tpu.vector_store %arg8[%parallel_loop3A_405, %parallel_loop3A_406, %parallel_loop3A_407], %parallel_loop3A_253 {strides = array<i32>} : memref<2x32x128xf32, #tpu.memory_space<vmem>>, vector<16xf32>,
        %parallel_loop3A_409 = arith.constant 27 : i32
        %parallel_loop3A_410 = arith.index_cast %rem3A_113 : i32 to index
        %parallel_loop3A_411 = arith.index_cast %parallel_loop3A_409 : i32 to index
        %parallel_loop3A_412 = arith.index_cast %parallel_loop3A_132 : i32 to index
        %parallel_loop3A_413 = tpu.vector_load %arg8[%parallel_loop3A_410, %parallel_loop3A_411, %parallel_loop3A_412] {strides = array<i32>} : memref<2x32x128xf32, #tpu.memory_space<vmem>>, vector<16xf32>,
        tpu.vector_store %arg8[%parallel_loop3A_410, %parallel_loop3A_411, %parallel_loop3A_412], %parallel_loop3A_257 {strides = array<i32>} : memref<2x32x128xf32, #tpu.memory_space<vmem>>, vector<16xf32>,
        %parallel_loop3A_414 = arith.constant 28 : i32
        %parallel_loop3A_415 = arith.index_cast %rem3A_113 : i32 to index
        %parallel_loop3A_416 = arith.index_cast %parallel_loop3A_414 : i32 to index
        %parallel_loop3A_417 = arith.index_cast %parallel_loop3A_132 : i32 to index
        %parallel_loop3A_418 = tpu.vector_load %arg8[%parallel_loop3A_415, %parallel_loop3A_416, %parallel_loop3A_417] {strides = array<i32>} : memref<2x32x128xf32, #tpu.memory_space<vmem>>, vector<16xf32>,
        tpu.vector_store %arg8[%parallel_loop3A_415, %parallel_loop3A_416, %parallel_loop3A_417], %parallel_loop3A_261 {strides = array<i32>} : memref<2x32x128xf32, #tpu.memory_space<vmem>>, vector<16xf32>,
        %parallel_loop3A_419 = arith.constant 29 : i32
        %parallel_loop3A_420 = arith.index_cast %rem3A_113 : i32 to index
        %parallel_loop3A_421 = arith.index_cast %parallel_loop3A_419 : i32 to index
        %parallel_loop3A_422 = arith.index_cast %parallel_loop3A_132 : i32 to index
        %parallel_loop3A_423 = tpu.vector_load %arg8[%parallel_loop3A_420, %parallel_loop3A_421, %parallel_loop3A_422] {strides = array<i32>} : memref<2x32x128xf32, #tpu.memory_space<vmem>>, vector<16xf32>,
        tpu.vector_store %arg8[%parallel_loop3A_420, %parallel_loop3A_421, %parallel_loop3A_422], %parallel_loop3A_265 {strides = array<i32>} : memref<2x32x128xf32, #tpu.memory_space<vmem>>, vector<16xf32>,
        %parallel_loop3A_424 = arith.constant 30 : i32
        %parallel_loop3A_425 = arith.index_cast %rem3A_113 : i32 to index
        %parallel_loop3A_426 = arith.index_cast %parallel_loop3A_424 : i32 to index
        %parallel_loop3A_427 = arith.index_cast %parallel_loop3A_132 : i32 to index
        %parallel_loop3A_428 = tpu.vector_load %arg8[%parallel_loop3A_425, %parallel_loop3A_426, %parallel_loop3A_427] {strides = array<i32>} : memref<2x32x128xf32, #tpu.memory_space<vmem>>, vector<16xf32>,
        tpu.vector_store %arg8[%parallel_loop3A_425, %parallel_loop3A_426, %parallel_loop3A_427], %parallel_loop3A_269 {strides = array<i32>} : memref<2x32x128xf32, #tpu.memory_space<vmem>>, vector<16xf32>,
        %parallel_loop3A_429 = arith.constant 31 : i32
        %parallel_loop3A_430 = arith.index_cast %rem3A_113 : i32 to index
        %parallel_loop3A_431 = arith.index_cast %parallel_loop3A_429 : i32 to index
        %parallel_loop3A_432 = arith.index_cast %parallel_loop3A_132 : i32 to index
        %parallel_loop3A_433 = tpu.vector_load %arg8[%parallel_loop3A_430, %parallel_loop3A_431, %parallel_loop3A_432] {strides = array<i32>} : memref<2x32x128xf32, #tpu.memory_space<vmem>>, vector<16xf32>,
        tpu.vector_store %arg8[%parallel_loop3A_430, %parallel_loop3A_431, %parallel_loop3A_432], %parallel_loop3A_273 {strides = array<i32>} : memref<2x32x128xf32, #tpu.memory_space<vmem>>, vector<16xf32>,
      } {sc.loop_unroll_factor = 2 : i64, sc.parallel_access}
      %dma_start3A_116 = arith.constant 0 : i32
      %dma_start3A_117 = arith.constant 0 : i32
      %dma_start3A_118 = tpu.memref_slice %arg8[%rem3A_113, %dma_start3A_116, %dma_start3A_117] : memref<2x32x128xf32, #tpu.memory_space<vmem>> -> memref<1x32x128xf32, #tpu.memory_space<vmem>>
      %dma_start3A_119 = tpu.memref_squeeze %dma_start3A_118 : memref<1x32x128xf32, #tpu.memory_space<vmem>> -> memref<32x128xf32, #tpu.memory_space<vmem>>
      %dma_start3A_120 = arith.constant 0 : i32
      %dma_start3A_121 = tpu.memref_slice %arg4[%sub3A_93, %dma_start3A_120, %multiple_of3A] : memref<50x32x4096xf32, #tpu.memory_space<hbm>> -> memref<1x32x128xf32, #tpu.memory_space<hbm>>
      %dma_start3A_122 = tpu.memref_squeeze %dma_start3A_121 : memref<1x32x128xf32, #tpu.memory_space<hbm>> -> memref<32x128xf32, #tpu.memory_space<hbm>>
      %dma_start3A_123 = arith.constant 0 : i32
      %dma_start3A_124 = tpu.memref_slice %arg4[%sub3A_93, %dma_start3A_123, %multiple_of3A] : memref<50x32x4096xf32, #tpu.memory_space<hbm>> -> memref<1x32x128xf32, #tpu.memory_space<hbm>>
      %dma_start3A_125 = tpu.memref_squeeze %dma_start3A_124 : memref<1x32x128xf32, #tpu.memory_space<hbm>> -> memref<32x128xf32, #tpu.memory_space<hbm>>
      %dma_start3A_126 = arith.constant 0 : i32
      %dma_start3A_127 = arith.constant 0 : i32
      %dma_start3A_128 = tpu.memref_slice %arg8[%rem3A_113, %dma_start3A_126, %dma_start3A_127] : memref<2x32x128xf32, #tpu.memory_space<vmem>> -> memref<1x32x128xf32, #tpu.memory_space<vmem>>
      %dma_start3A_129 = tpu.memref_squeeze %dma_start3A_128 : memref<1x32x128xf32, #tpu.memory_space<vmem>> -> memref<32x128xf32, #tpu.memory_space<vmem>>
      tpu.enqueue_dma source(%dma_start3A_129 : memref<32x128xf32, #tpu.memory_space<vmem>>) target(%dma_start3A_125 : memref<32x128xf32, #tpu.memory_space<hbm>>) target_semaphore(%arg10 : memref<!tpu.dma_semaphore, #tpu.memory_space<semaphore_mem>>)
    }
    %scan3A_58 = arith.constant 50 : i32
    %dma_wait3A = arith.constant 0 : i32
    %dma_wait3A_59 = arith.constant 0 : i32
    %dma_wait3A_60 = arith.constant 0 : i32
    %dma_wait3A_61 = arith.constant 0 : i32
    %dma_wait3A_62 = tpu.memref_slice %arg8[%dma_wait3A, %dma_wait3A_60, %dma_wait3A_61] : memref<2x32x128xf32, #tpu.memory_space<vmem>> -> memref<1x32x128xf32, #tpu.memory_space<vmem>>
    %dma_wait3A_63 = tpu.memref_squeeze %dma_wait3A_62 : memref<1x32x128xf32, #tpu.memory_space<vmem>> -> memref<32x128xf32, #tpu.memory_space<vmem>>
    %dma_wait3A_64 = arith.constant 0 : i32
    %dma_wait3A_65 = tpu.memref_slice %arg4[%dma_wait3A_59, %dma_wait3A_64, %multiple_of3A] : memref<50x32x4096xf32, #tpu.memory_space<hbm>> -> memref<1x32x128xf32, #tpu.memory_space<hbm>>
    %dma_wait3A_66 = tpu.memref_squeeze %dma_wait3A_65 : memref<1x32x128xf32, #tpu.memory_space<hbm>> -> memref<32x128xf32, #tpu.memory_space<hbm>>
    %dma_wait3A_67 = arith.constant 0 : i32
    %dma_wait3A_68 = tpu.memref_slice %arg4[%dma_wait3A_59, %dma_wait3A_67, %multiple_of3A] : memref<50x32x4096xf32, #tpu.memory_space<hbm>> -> memref<1x32x128xf32, #tpu.memory_space<hbm>>
    %dma_wait3A_69 = tpu.memref_squeeze %dma_wait3A_68 : memref<1x32x128xf32, #tpu.memory_space<hbm>> -> memref<32x128xf32, #tpu.memory_space<hbm>>
    %dma_wait3A_70 = arith.constant 0 : i32
    %dma_wait3A_71 = arith.constant 0 : i32
    %dma_wait3A_72 = tpu.memref_slice %arg8[%dma_wait3A, %dma_wait3A_70, %dma_wait3A_71] : memref<2x32x128xf32, #tpu.memory_space<vmem>> -> memref<1x32x128xf32, #tpu.memory_space<vmem>>
    %dma_wait3A_73 = tpu.memref_squeeze %dma_wait3A_72 : memref<1x32x128xf32, #tpu.memory_space<vmem>> -> memref<32x128xf32, #tpu.memory_space<vmem>>
    tpu.wait_dma2 semaphore(%arg10 : memref<!tpu.dma_semaphore, #tpu.memory_space<semaphore_mem>>) src(%dma_wait3A_73 : memref<32x128xf32, #tpu.memory_space<vmem>>) dst(%dma_wait3A_69 : memref<32x128xf32, #tpu.memory_space<hbm>>)
    %dma_wait3A_74 = arith.constant 0 : i32
    %dma_wait3A_75 = arith.constant 0 : i32
    %dma_wait3A_76 = arith.constant 0 : i32
    %dma_wait3A_77 = arith.constant 0 : i32
    %dma_wait3A_78 = tpu.memref_slice %arg8[%dma_wait3A_74, %dma_wait3A_76, %dma_wait3A_77] : memref<2x32x128xf32, #tpu.memory_space<vmem>> -> memref<1x32x128xf32, #tpu.memory_space<vmem>>
    %dma_wait3A_79 = tpu.memref_squeeze %dma_wait3A_78 : memref<1x32x128xf32, #tpu.memory_space<vmem>> -> memref<32x128xf32, #tpu.memory_space<vmem>>
    %dma_wait3A_80 = arith.constant 0 : i32
    %dma_wait3A_81 = tpu.memref_slice %arg4[%dma_wait3A_75, %dma_wait3A_80, %multiple_of3A] : memref<50x32x4096xf32, #tpu.memory_space<hbm>> -> memref<1x32x128xf32, #tpu.memory_space<hbm>>
    %dma_wait3A_82 = tpu.memref_squeeze %dma_wait3A_81 : memref<1x32x128xf32, #tpu.memory_space<hbm>> -> memref<32x128xf32, #tpu.memory_space<hbm>>
    %dma_wait3A_83 = arith.constant 0 : i32
    %dma_wait3A_84 = tpu.memref_slice %arg4[%dma_wait3A_75, %dma_wait3A_83, %multiple_of3A] : memref<50x32x4096xf32, #tpu.memory_space<hbm>> -> memref<1x32x128xf32, #tpu.memory_space<hbm>>
    %dma_wait3A_85 = tpu.memref_squeeze %dma_wait3A_84 : memref<1x32x128xf32, #tpu.memory_space<hbm>> -> memref<32x128xf32, #tpu.memory_space<hbm>>
    %dma_wait3A_86 = arith.constant 0 : i32
    %dma_wait3A_87 = arith.constant 0 : i32
    %dma_wait3A_88 = tpu.memref_slice %arg8[%dma_wait3A_74, %dma_wait3A_86, %dma_wait3A_87] : memref<2x32x128xf32, #tpu.memory_space<vmem>> -> memref<1x32x128xf32, #tpu.memory_space<vmem>>
    %dma_wait3A_89 = tpu.memref_squeeze %dma_wait3A_88 : memref<1x32x128xf32, #tpu.memory_space<vmem>> -> memref<32x128xf32, #tpu.memory_space<vmem>>
    tpu.wait_dma2 semaphore(%arg10 : memref<!tpu.dma_semaphore, #tpu.memory_space<semaphore_mem>>) src(%dma_wait3A_89 : memref<32x128xf32, #tpu.memory_space<vmem>>) dst(%dma_wait3A_85 : memref<32x128xf32, #tpu.memory_space<hbm>>)
    return
  }
}

</mosaic_0001>

<sc_bundles>
// kernel: kernel.4.cloned.1.call-start
scs
__scs_entry_jumppad:
0x0: {  	(pc) =	sbr.rel $0x88, $3  }
0x1: {  	(tag) =	ssettag $0x0;
	lr =	simm.s32 $0x1  }
0x2: {  	[smem:$0x3F9F] =	sst lr;
	_ =	strace $0xD0000000  }
0x3: {  	_ = 	snop  }
0x4: {  	_ = 	snop  }
0x5: {  	_ = 	snop  }
0x6: {  	_ = 	snop  }
0x7: {  	_ = 	snop  }
__scs_overlays_trampoline_lowered:
0x8: {  	[smem:$0x3FAE] =	sst s0  }
0x9: {  	[smem:$0x3FAF] =	sst s1  }
0xa: {  	[smem:$0x3FB0] =	sst s2  }
0xb: {  	[smem:$0x3FB1] =	sst s3  }
0xc: {  	[smem:$0x3FB2] =	sst s4  }
0xd: {  	[smem:$0x3FB3] =	sst s5  }
0xe: {  	[smem:$0x3FB4] =	sst s6  }
0xf: {  	[smem:$0x3FB5] =	sst s7  }
0x10: {  	[smem:$0x3FB6] =	sst s8  }
0x11: {  	[smem:$0x3FB7] =	sst s9;
	s0 =	simm.s32 @!p0 $0x0  }
0x12: {  	s1 =	sld [smem:$0x3F9D];
	s0 =	simm.s32 @p0 $0x1  }
0x13: {  	[smem:$0x3FB8] =	sst s0;
	s0 =	simm.s32 @!p1 $0x0  }
0x14: {  	s2 =	sld [smem:$0x3F9C];
	s0 =	simm.s32 @p1 $0x1  }
0x15: {  	[smem:$0x3FB9] =	sst s0;
	s0 =	simm.s32 @!p2 $0x0  }
0x16: {  	s3 =	sld [smem:$0x3FDB];
	s0 =	simm.s32 @p2 $0x1  }
0x17: {  	s4 =	simm.s32 $0x1BF5;
	[smem:$0x3FBB] =	sst s0  }
0x18: {  	s0 =	sld [smem:$0x3F9E];
	_ =	swait.ge [sflag:s4], $0x0  }
0x19: {  	s7 =	sld [smem:$0x3F9F]  }
0x1a: {  	s8 =	sadd.s32 $0xFFFFE003, lr  }
0x1b: {  	s9 =	sadd.s32 $0xFFFFFEF7, lr;
	s5 =	simm.s32 $0xFFFFFFFF;
	p2 =	slt.u32 s8, $0xFFFFF086  }
0x1c: {  	p1 =	slt.u32 s9, $0xF7A;
	s5 =	simm.s32 @!p2 $0x0  }
0x1d: {  	s5 =	simm.s32 @p1 $0x1;
	p0 =	seq.s32 s7, s2  }
0x1e: {  	s7 =	smul.u32 @!p0 $0xF7A, s2;
	p2 =	seq.s32 @!p0 s5, $0x0  }
0x1f: {  	s9 =	smul.u32 $0xF7A, s1;
	s8 =	simm.s32 @!p0 $0x1BF5;
	p2 =	por !p2, p0  }
0x20: {  	[sflag:s8] =	ssyncset.s32 @!p0 $0xFFFFF086;
	s6 =	sadd.s32 @!p0 s3, s7;
	s7 =	simm.s32 @!p0 $0x108  }
0x21: {  	s3 =	sadd.s32 s3, s9;
	s6 =	sadd.s32 @!p0 $0x88, s6;
	s7 =	simm.s32 @p2 $0x1082  }
0x22: {  	[simem:s7], [sflag:s8] =	dma.local @!p0 [hbm:s6], $0xF7A  }
0x23: {  	s9 =	sor.u32 $0xD0000000, s2;
	s6 =	simm.s32 $0x108;
	_ =	swait.ge @!p0 [sflag:s8], $0x0  }
0x24: {  	s3 =	sadd.s32 $0x88, s3;
	s6 =	simm.s32 @!p1 $0x1082;
	[sflag:s4] =	ssyncset.s32 $0xFFFFF086  }
0x25: {  	[simem:s6], [sflag:s4] =	dma.local [hbm:s3], $0xF7A  }
0x26: {  	[smem:$0x3F9F] =	sst s1;
	(tag) =	ssettag s2;
	_ =	strace s9  }
0x27: {  	s1 =	sld [smem:$0x3FAF]  }
0x28: {  	s2 =	sld [smem:$0x3FB0]  }
0x29: {  	s4 =	sld [smem:$0x3FB2]  }
0x2a: {  	p0 =	seq.s32 s5, $0x0;
	s5 =	sld [smem:$0x3FB3]  }
0x2b: {  	s6 =	sld [smem:$0x3FB4]  }
0x2c: {  	s7 =	sld [smem:$0x3FB5]  }
0x2d: {  	s3 =	simm.s32 $0x108;
	s8 =	sld [smem:$0x3FB6]  }
0x2e: {  	s3 =	simm.s32 @!p0 $0x1082;
	s9 =	sld [smem:$0x3FB7]  }
0x2f: {  	lr =	sadd.s32 s0, s3;
	s0 =	sld [smem:$0x3FAE]  }
0x30: {  	s3 =	sld [smem:$0x3FB1]  }
0x31: {  	[smem:$0x3FBA] =	sst s10  }
0x32: {  	s10 =	sld [smem:$0x3FB8];
	_ =	sdelay $0x3  }
0x33: {  	p0 =	seq.s32 s10, $0x1;
	s10 =	sld [smem:$0x3FBA];
	_ =	sdelay $0x3  }
0x34: {  	[smem:$0x3FBA] =	sst s10  }
0x35: {  	s10 =	sld [smem:$0x3FB9];
	_ =	sdelay $0x3  }
0x36: {  	p1 =	seq.s32 s10, $0x1;
	s10 =	sld [smem:$0x3FBA];
	_ =	sdelay $0x3  }
0x37: {  	[smem:$0x3FBA] =	sst s10  }
0x38: {  	s10 =	sld [smem:$0x3FBB]  }
0x39: {  	_ = 	snop;
	(pc) =	sbr.ind lr, $3  }
0x3a: {  	_ = 	snop  }
0x3b: {  	_ = 	snop  }
0x3c: {  	p2 =	seq.s32 s10, $0x1;
	s10 =	sld [smem:$0x3FBA]  }
0x3d: {  	_ =	shalt  }
0x3e: {  	_ =	shalt  }
0x3f: {  	_ =	shalt  }
0x40: {  	_ =	shalt  }
0x41: {  	_ =	shalt  }
0x42: {  	_ =	shalt  }
0x43: {  	_ =	shalt  }
0x44: {  	_ =	shalt  }
0x45: {  	_ =	shalt  }
0x46: {  	_ =	shalt  }
0x47: {  	_ =	shalt  }
0x48: {  	_ =	shalt  }
0x49: {  	_ =	shalt  }
0x4a: {  	_ =	shalt  }
0x4b: {  	_ =	shalt  }
0x4c: {  	_ =	shalt  }
0x4d: {  	_ =	shalt  }
0x4e: {  	_ =	shalt  }
0x4f: {  	_ =	shalt  }
0x50: {  	_ =	shalt  }
0x51: {  	_ =	shalt  }
0x52: {  	_ =	shalt  }
0x53: {  	_ =	shalt  }
0x54: {  	_ =	shalt  }
0x55: {  	_ =	shalt  }
0x56: {  	_ =	shalt  }
0x57: {  	_ =	shalt  }
0x58: {  	_ =	shalt  }
0x59: {  	_ =	shalt  }
0x5a: {  	_ =	shalt  }
0x5b: {  	_ =	shalt  }
0x5c: {  	_ =	shalt  }
0x5d: {  	_ =	shalt  }
0x5e: {  	_ =	shalt  }
0x5f: {  	_ =	shalt  }
0x60: {  	_ =	shalt  }
0x61: {  	_ =	shalt  }
0x62: {  	_ =	shalt  }
0x63: {  	_ =	shalt  }
0x64: {  	_ =	shalt  }
0x65: {  	_ =	shalt  }
0x66: {  	_ =	shalt  }
0x67: {  	_ =	shalt  }
0x68: {  	_ =	shalt  }
0x69: {  	_ =	shalt  }
0x6a: {  	_ =	shalt  }
0x6b: {  	_ =	shalt  }
0x6c: {  	_ =	shalt  }
0x6d: {  	_ =	shalt  }
0x6e: {  	_ =	shalt  }
0x6f: {  	_ =	shalt  }
0x70: {  	_ =	shalt  }
0x71: {  	_ =	shalt  }
0x72: {  	_ =	shalt  }
0x73: {  	_ =	shalt  }
0x74: {  	_ =	shalt  }
0x75: {  	_ =	shalt  }
0x76: {  	_ =	shalt  }
0x77: {  	_ =	shalt  }
0x78: {  	_ =	shalt  }
0x79: {  	_ =	shalt  }
0x7a: {  	_ =	shalt  }
0x7b: {  	_ =	shalt  }
0x7c: {  	_ =	shalt  }
0x7d: {  	_ =	shalt  }
0x7e: {  	_ =	shalt  }
0x7f: {  	_ =	shalt  }
0x80: {  	_ =	shalt  }
0x81: {  	_ =	shalt  }
0x82: {  	_ =	shalt  }
0x83: {  	_ =	shalt  }
0x84: {  	_ =	shalt  }
0x85: {  	_ =	shalt  }
0x86: {  	_ =	shalt  }
0x87: {  	_ =	shalt  }
.Lfunc_end0:
.L_simem_size_0:
called_computation_lowered:
.L_overlay_start_0:
0x88: {  	s2 =	sld [smem:$0x3FD9]  }
0x89: {  	s3 =	sld [smem:$0x3FFE];
	_ =	sdelay $0x1  }
0x8a: {  	s1 =	srdreg.scid  }
0x8b: {  	s0 =	sand.u32 $0x1, s1  }
0x8c: {  	s17 =	sshll.u32 s0, $0xA;
	s2 =	sadd.s32 s3, s2  }
0x8d: {  	s2 =	sadd.s32 s2, s17  }
0x8e: {  	[smem:$0x3FC6] =	sst s2  }
0x8f: {  	_ = 	snop  }
0x90: {  	s2 =	sld [smem:$0x3FC8]  }
0x91: {  	s18 =	sld [smem:$0x3FD0];
	(tm) =	ssettm $0x1  }
0x92: {  	s4 =	sld [smem:$0x3FFB];
	_ =	sdelay $0x3  }
0x93: {  	_ =	strace s4  }
0x94: {  	s4 =	sld [smem:$0x3FFC];
	_ =	sdelay $0x3  }
0x95: {  	_ =	strace s4  }
0x96: {  	s4 =	sld [smem:$0x3FFD];
	_ =	sdelay $0x3  }
0x97: {  	_ =	strace s4  }
0x98: {  	_ =	strace $0x8FFFFFFF  }
0x99: {  	s19 =	sld [smem:$0x3FDB];
	_ =	sdelay $0x1  }
0x9a: {  	s5 =	simm.s32 $_scs_section_size  }
0x9b: {  	s6 =	simm.s32 $_size__tile_overlayer_lowered;
	s7 =	simm.s32 $_tile_overlayer_lowered  }
0x9c: {  	s22 =	simm.s32 $0x1BFF;
	s21 =	sshll.u32 s7, $0x1;
	s4 =	sadd.s32 s5, s19  }
0x9d: {  	s8 =	simm.s32 $0x0;
	s20 =	sshll.u32 s6, $0x1;
	s6 =	sadd.s32 s21, s4  }
0x9e: {  	[timem:s8], [sflag:s22] =	dma.local [hbm:s6], s20  }
0x9f: {  	_ =	swait.ge [sflag:s22], s20  }
0xa0: {  	s5 =	ssub.s32 $0x0, s20;
	[sflag:s22] =	ssyncset.done $0x0  }
0xa1: {  	[sflag:s22] =	ssyncadd.s32 s5;
	_ =	sdelay $0x1  }
0xa2: {  	s23 =	simm.s32 $0x1B8B  }
0xa3: {  	_ =	swait.ge [sflag:s23], $0x1  }
0xa4: {  	[sflag:s23] =	ssyncset.done $0x0  }
0xa5: {  	s25 =	simm.s32 $0x1B8E;
	s24 =	sld [smem:$0x3FFE];
	[sflag:s23] =	ssyncadd.s32 $0xFFFFFFFF  }
0xa6: {  	s26 =	simm.s32 $execute0_lowered;
	[smem:$0x3FD2] =	sst s25  }
0xa7: {  	s6 =	sshll.u32 s26, $0x1;
	_ =	strace $0x80000046;
	[dreg:$0x1] =	wrdreg $0xFFFFFFFF  }
0xa8: {  	s28 =	simm.s32 $_size_execute0_lowered;
	s4 =	sadd.s32 s4, s6;
	[dreg:$0x0] =	wrdreg $0x0  }
0xa9: {  	s6 =	sshll.u32 s28, $0x1;
	[dreg:$0x2] =	wrdreg s4  }
0xaa: {  	[dreg:$0x3] =	wrdreg s6  }
0xab: {  	[dreg:$0x4] =	wrdreg $0xC0  }
0xac: {  	_ =	task [dreg:s8], $0x5FFFF  }
0xad: {  	[dreg:$0x1] =	wrdreg $0xFFFFFFFF  }
0xae: {  	[dreg:$0x0] =	wrdreg $0x60  }
0xaf: {  	[dreg:$0x2] =	wrdreg s2  }
0xb0: {  	[dreg:$0x3] =	wrdreg s18  }
0xb1: {  	[dreg:$0x4] =	wrdreg s24  }
0xb2: {  	[dreg:$0x5] =	wrdreg $0x9  }
0xb3: {  	_ =	task.clear_ibuf [dreg:s8], $0x6FFFF;
	_ =	strace $0x90000046  }
0xb4: {  	s29 =	simm.s32 $0x9;
	_ =	strace $0x80000048  }
0xb5: {  	_ =	swait.ge [sflag:s29], $0x1  }
0xb6: {  	[sflag:s29] =	ssyncadd.s32 $0xFFFFFFFF  }
0xb7: {  	_ =	strace $0x90000048  }
0xb8: {  	_ =	sfence  }
0xb9: {  	s30 =	sld [smem:$0x0];
	_ =	sdelay $0x2  }
0xba: {  	s31 =	sshll.u32 s1, $0xD;
	s1 =	sshrl.u32 s1, $0x2  }
0xbb: {  	s3 =	sand.u32 $0x4000, s31;
	s1 =	sadd.s32 s1, s30  }
0xbc: {  	s0 =	sor.u32 s3, s0;
	s1 =	sshll.u32 s1, $0x11  }
0xbd: {  	s0 =	sor.u32 s1, s0  }
0xbe: {  	s0 =	sadd.s32 $0x8F2B, s0  }
0xbf: {  	[sflag:s0] =	ssyncadd.remote.s32 $0x1  }
0xc0: {  	_ =	sfence.sel $0xFFFF  }
0xc1: {  	[dreg:$0x0] =	wrdreg $0xFFFFFFFF;
	(pc) =	sbr.abs _section_cstart, $3  }
0xc2: {  	[dreg:$0x1] =	wrdreg $0xFFFFFFFF  }
0xc3: {  	_ =	task.clear_ibuf [dreg:s8], $0x2FFFF;
	_ =	strace $0x9FFFFFFF  }
0xc4: {  	(tm) =	ssettm $0x7FFFFFFF  }
0xc5: {  	_ =	shalt  }
tec
execute0_lowered:
.L_overlay_start_1:
0x0: {  	(tag) =	ssettag $0x1  }
0x1: {  	v0 =	vlaneseq.u32;
	v4 =	vimm.s32 $0x1380;
	vm14 =	vcmask $0x300  }
0x2: {  	v5 =	vimm.s32 $0x3380;
	vm13 =	vcmask $0x704;
	vm12 =	vcmask $0xB08  }
0x3: {  	vm11 =	vcmask $0xF0C;
	vm10 =	vcmask $0x1310;
	vm9 =	vcmask $0x1714  }
0x4: {  	vm8 =	vcmask $0x1B18;
	vm7 =	vcmask $0x1F1C;
	vm6 =	vcmask $0x2320  }
0x5: {  	vm5 =	vcmask $0x2724;
	vm4 =	vcmask $0x2B28;
	vm3 =	vcmask $0x2F2C  }
0x6: {  	vm2 =	vcmask $0x3330;
	vm1 =	vcmask $0x3734;
	vm0 =	vcmask $0x3B38  }
0x7: {  	v6 =	vimm.s32 $0x1381;
	v7 =	vimm.s32 $0x3381;
	v8 =	vimm.s32 $0x1382  }
0x8: {  	v9 =	vimm.s32 $0x3382;
	v10 =	vimm.s32 $0x1383;
	v11 =	vimm.s32 $0x3383  }
0x9: {  	v1 =	vmul.u32 $0x200, v0;
	v3 =	vand.u32 $0x7, v0;
	v4 =	vsel vm14, $0x0, v4  }
0xa: {  	v5 =	vsel vm14, $0x2000, v5;
	v6 =	vsel vm14, $0x1, v6;
	v7 =	vsel vm14, $0x2001, v7  }
0xb: {  	v8 =	vsel vm14, $0x2, v8;
	v9 =	vsel vm14, $0x2002, v9;
	v10 =	vsel vm14, $0x3, v10  }
0xc: {  	v11 =	vsel vm14, $0x2003, v11;
	v12 =	vor.u32 $0x10, v0;
	v13 =	vor.u32 $0x80, v0  }
0xd: {  	v63 =	vmul.u32 $0x80, v3;
	v4 =	vsel vm13, $0x80, v4;
	v5 =	vsel vm13, $0x2080, v5  }
0xe: {  	v6 =	vsel vm13, $0x81, v6;
	v7 =	vsel vm13, $0x2081, v7;
	v8 =	vsel vm13, $0x82, v8  }
0xf: {  	v9 =	vsel vm13, $0x2082, v9;
	v10 =	vsel vm13, $0x83, v10;
	v11 =	vsel vm13, $0x2083, v11  }
0x10: {  	[tilespmem:$0x1FF50] =	vst v1;
	v1 =	vor.u32 $0x2000, v1;
	v4 =	vsel vm12, $0x100, v4;
	v5 =	vsel vm12, $0x2100, v5  }
0x11: {  	v6 =	vsel vm12, $0x101, v6;
	v7 =	vsel vm12, $0x2101, v7;
	v8 =	vsel vm12, $0x102, v8  }
0x12: {  	v9 =	vsel vm12, $0x2102, v9;
	v10 =	vsel vm12, $0x103, v10;
	v11 =	vsel vm12, $0x2103, v11  }
0x13: {  	v4 =	vsel vm11, $0x180, v4;
	v5 =	vsel vm11, $0x2180, v5;
	v6 =	vsel vm11, $0x181, v6  }
0x14: {  	v7 =	vsel vm11, $0x2181, v7;
	v8 =	vsel vm11, $0x182, v8;
	v9 =	vsel vm11, $0x2182, v9  }
0x15: {  	v10 =	vsel vm11, $0x183, v10;
	v11 =	vsel vm11, $0x2183, v11;
	v4 =	vsel vm10, $0x200, v4  }
0x16: {  	v5 =	vsel vm10, $0x2200, v5;
	v6 =	vsel vm10, $0x201, v6;
	v7 =	vsel vm10, $0x2201, v7  }
0x17: {  	v8 =	vsel vm10, $0x202, v8;
	v9 =	vsel vm10, $0x2202, v9;
	v10 =	vsel vm10, $0x203, v10  }
0x18: {  	v11 =	vsel vm10, $0x2203, v11;
	v4 =	vsel vm9, $0x280, v4;
	v5 =	vsel vm9, $0x2280, v5  }
0x19: {  	v6 =	vsel vm9, $0x281, v6;
	v7 =	vsel vm9, $0x2281, v7;
	v8 =	vsel vm9, $0x282, v8  }
0x1a: {  	v9 =	vsel vm9, $0x2282, v9;
	v10 =	vsel vm9, $0x283, v10;
	v11 =	vsel vm9, $0x2283, v11  }
0x1b: {  	v4 =	vsel vm8, $0x300, v4;
	v5 =	vsel vm8, $0x2300, v5;
	v6 =	vsel vm8, $0x301, v6  }
0x1c: {  	v7 =	vsel vm8, $0x2301, v7;
	v8 =	vsel vm8, $0x302, v8;
	v9 =	vsel vm8, $0x2302, v9  }
0x1d: {  	v10 =	vsel vm8, $0x303, v10;
	v11 =	vsel vm8, $0x2303, v11;
	v4 =	vsel vm7, $0x380, v4  }
0x1e: {  	v5 =	vsel vm7, $0x2380, v5;
	v6 =	vsel vm7, $0x381, v6;
	v7 =	vsel vm7, $0x2381, v7  }
0x1f: {  	v8 =	vsel vm7, $0x382, v8;
	v9 =	vsel vm7, $0x2382, v9;
	v10 =	vsel vm7, $0x383, v10  }
0x20: {  	v11 =	vsel vm7, $0x2383, v11;
	v4 =	vsel vm6, $0x1000, v4;
	v5 =	vsel vm6, $0x3000, v5  }
0x21: {  	v6 =	vsel vm6, $0x1001, v6;
	v7 =	vsel vm6, $0x3001, v7;
	v8 =	vsel vm6, $0x1002, v8  }
0x22: {  	v9 =	vsel vm6, $0x3002, v9;
	v10 =	vsel vm6, $0x1003, v10;
	v11 =	vsel vm6, $0x3003, v11  }
0x23: {  	v4 =	vsel vm5, $0x1080, v4;
	v5 =	vsel vm5, $0x3080, v5;
	v6 =	vsel vm5, $0x1081, v6  }
0x24: {  	v7 =	vsel vm5, $0x3081, v7;
	v8 =	vsel vm5, $0x1082, v8;
	v9 =	vsel vm5, $0x3082, v9  }
0x25: {  	s1 =	srdreg.scid;
	v10 =	vsel vm5, $0x1083, v10;
	v11 =	vsel vm5, $0x3083, v11;
	v4 =	vsel vm4, $0x1100, v4  }
0x26: {  	s0 =	stileid.u32;
	s6 =	rddreg [dreg:$0x0];
	v5 =	vsel vm4, $0x3100, v5;
	v6 =	vsel vm4, $0x1101, v6;
	v7 =	vsel vm4, $0x3101, v7  }
0x27: {  	s8 =	rddreg [dreg:$0x2];
	s3 =	simm.s32 $0x0;
	s12 =	simm.s32 $0x1;
	v8 =	vsel vm4, $0x1102, v8;
	v9 =	vsel vm4, $0x3102, v9;
	v10 =	vsel vm4, $0x1103, v10  }
0x28: {  	s13 =	simm.s32 $0x2;
	s14 =	simm.s32 $0x2000;
	s15 =	simm.s32 $0x3000;
	v11 =	vsel vm4, $0x3103, v11;
	v4 =	vsel vm3, $0x1180, v4;
	v5 =	vsel vm3, $0x3180, v5  }
0x29: {  	s16 =	simm.s32 $0x3;
	s17 =	simm.s32 $0x8000;
	s19 =	simm.s32 $0x0;
	v6 =	vsel vm3, $0x1181, v6;
	v7 =	vsel vm3, $0x3181, v7;
	v8 =	vsel vm3, $0x1182, v8  }
0x2a: {  	s4 =	sand.u32 $0x1, s1;
	s2 =	sshll.u32 s0, $0x1;
	s1 =	rddreg [dreg:$0x1];
	v9 =	vsel vm3, $0x3182, v9;
	v10 =	vsel vm3, $0x1183, v10;
	v4 =	vsel vm2, $0x1200, v4  }
0x2b: {  	[smem:$0x7FF] =	sst s3;
	s9 =	sadd.s32 $0x800, s8;
	s18 =	sor.u32 s4, s2;
	[tilespmem:$0x1FF60] =	vst v1;
	v11 =	vsel vm3, $0x3183, v11;
	v5 =	vsel vm2, $0x3200, v5;
	v4 =	vsel vm1, $0x1280, v4  }
0x2c: {  	s8 =	sadd.s32 $0x3D1000, s8;
	p0 =	sgt.u32 s0, $0x1;
	s5 =	smul.u32 $0xF4, s18;
	[tilespmem:$0x1FF70] =	vst v63;
	v6 =	vsel vm2, $0x1201, v6;
	v5 =	vsel vm1, $0x3280, v5;
	v27 =	vsel vm0, $0x1300, v4  }
0x2d: {  	s2 =	rddreg [dreg:$0x3];
	s4 =	ssub.s32 $0x2, s4;
	_ =	strace $0x80000047;
	v7 =	vsel vm2, $0x3201, v7;
	v6 =	vsel vm1, $0x1281, v6;
	v28 =	vsel vm0, $0x3300, v5;
	[tilespmem:$0x1FF80] =	vst v27  }
0x2e: {  	s7 =	smin.u32 s18, $0x4;
	s10 =	sshrl.u32 s4, $0x1;
	p1 =	sne.s32 s18, $0x4;
	v8 =	vsel vm2, $0x1202, v8;
	v7 =	vsel vm1, $0x3281, v7;
	v29 =	vsel vm0, $0x1301, v6;
	[tilespmem:$0x1FF90] =	vst v28  }
0x2f: {  	s18 =	simm.s32 $0x10000;
	s10 =	ssub.s32 s4, s10;
	s5 =	sadd.s32 s7, s5;
	v9 =	vsel vm2, $0x3202, v9;
	v8 =	vsel vm1, $0x1282, v8;
	v30 =	vsel vm0, $0x3301, v7;
	[tilespmem:$0x1FFA0] =	vst v29  }
.Ltmp0:
0x30: {  	s7 =	sshll.u32 s5, $0x5;
	s31 =	sshll.u32 s5, $0x7;
	v10 =	vsel vm2, $0x1203, v10;
	v9 =	vsel vm1, $0x3282, v9;
	v31 =	vsel vm0, $0x1302, v8;
	[tilespmem:$0x1FFB0] =	vst v30;
	(pc) =	sbr.rel .LBB2_1-.Ltmp0, $4  }
0x31: {  	s5 =	sshll.u32 s5, $0x9;
	s7 =	sadd.s32 $0x1E80, s7;
	s4 =	sadd.s32 s6, s31;
	v11 =	vsel vm2, $0x3203, v11;
	v10 =	vsel vm1, $0x1283, v10;
	v9 =	vsel vm0, $0x3302, v9;
	[tilespmem:$0x1FFC0] =	vst v31  }
0x32: {  	v14 =	vor.u32 $0x90, v0;
	s5 =	sadd.s32 s9, s5;
	s11 =	sshll.u32 s7, $0x2;
	s7 =	sshll.u32 s7, $0x4;
	v11 =	vsel vm1, $0x3283, v11;
	v10 =	vsel vm0, $0x1303, v10;
	[tilespmem:$0x1FFD0] =	vst v9  }
0x33: {  	v15 =	vor.u32 $0x100, v0;
	v16 =	vor.u32 $0x110, v0;
	s11 =	sand.u32 $0x1FFFFF80, s11;
	s7 =	sadd.s32 s9, s7;
	s9 =	smax.u32 s10, $0x1;
	v11 =	vsel vm0, $0x3303, v11;
	[tilespmem:$0x1FFE0] =	vst v10  }
0x34: {  	v17 =	vor.u32 $0x180, v0;
	v18 =	vor.u32 $0x190, v0;
	s10 =	simm.s32 $0x1000;
	s6 =	sadd.s32 s6, s11;
	s11 =	simm.s32 $0x7A1400;
	[tilespmem:$0x1FFF0] =	vst v11  }
.LBB2_13:
0x35: {  	s19 =	sadd.s32 $0x1, s19  }
0x36: {  	p2 =	sne.s32 s19, s9  }
.Ltmp1:
0x37: {  	_ = 	snop;
	(pc) =	sbr.rel @!p2 .LBB2_14-.Ltmp1, $1  }
0x38: {  	_ =	sdelay $0x3  }
.LBB2_1:
0x39: {  	[tilespmem:s3], [sflag:$0x1] =	stream.strided.gather [hbm4b:s4+s10], $0x4000, s11, s10, $0x38;
	[tilespmem:$0x12000] =	vst v63  }
0x3a: {  	p2 =	por $0x0, $0x0;
	s20 =	simm.s32 $0x0  }
.LBB2_2:
0x3b: {  	v0 =	vld [tilespmem:$0x1FF60]  }
0x3c: {  	s22 =	sand.u32 $0x1, s20;
	v5 =	vld [tilespmem:$0x1FF50]  }
0x3d: {  	v6 =	vld [tilespmem:$0x1FF70];
	s23 =	sshll.u32 s22, $0x5  }
0x3e: {  	v19 =	vmov s23  }
0x3f: {  	s21 =	sadd.s32 $0x1, s20;
	p3 =	seq.s32 s20, $0x3C;
	s24 =	simm.s32 $0x4;
	v19 =	vshll.u32 v19, $0x9  }
0x40: {  	s25 =	sshll.u32 @!p3 s21, $0xE;
	v21 =	vmov s24;
	s26 =	simm.s32 @!p3 $0x7A1400;
	s23 =	sshll.u32 @!p3 s21, $0x9;
	v20 =	vor.u32 v0, v19  }
0x41: {  	s24 =	sand.u32 @!p3 $0x4000, s25;
	s25 =	simm.s32 @!p3 $0x1000;
	v22 =	vshll.u32 v21, $0x3;
	s23 =	sadd.s32 @!p3 s23, s4;
	v19 =	vor.u32 v5, v19;
	v20 =	vand.u32 $0x7000, v20  }
0x42: {  	v22 =	vand.u32 $0xC00, v22;
	[tilespmem:s24], [sflag:$0x1] =	stream.strided.gather @!p3 [hbm4b:s23+s25], $0x4000, s26, s25, $0x38;
	v23 =	vand.u32 $0x5000, v19;
	v19 =	vor.u32 v6, v20;
	[tilespmem:$0x12000] =	vst v63  }
0x43: {  	s30 =	simm.s32 $0xC;
	v25 =	vand.u32 $0x74, v21;
	_ =	swait.ge [sflag:s12], $0x4000;
	v20 =	vor.u32 v6, v23;
	v31 =	vor.u32 v22, v19  }
0x44: {  	s29 =	simm.s32 $0x0;
	v28 =	vmov s30;
	p3 =	slt.u32 s20, $0x2;
	[sflag:s12] =	ssyncset.done $0x0;
	v26 =	vor.u32 v22, v20;
	v21 =	vor.u32 v25, v31  }
0x45: {  	v24 =	vor.u32 $0x1, v25;
	s24 =	simm.s32 @!p3 $0x2;
	[sflag:s12] =	ssyncadd.s32 $0xFFFFC000;
	v22 =	vmov s29;
	v23 =	vor.u32 v25, v26  }
0x46: {  	v38 =	vand.u32 $0x7C, v28;
	_ =	swait.ge @!p3 [sflag:s24], $0x4000;
	v27 =	vshll.u32 v22, $0x3;
	v29 =	vor.u32 v24, v26  }
0x47: {  	[sflag:s24] =	ssyncset.done @!p3 $0x0;
	v33 =	vand.u32 $0x70, v22;
	v30 =	vor.u32 v24, v31;
	v22 =	vor.u32 $0x2, v25  }
0x48: {  	v48 =	vor.u32 $0x3, v25;
	v24 =	vshll.u32 v28, $0x3;
	[sflag:s24] =	ssyncadd.s32 @!p3 $0xFFFFC000;
	v34 =	vor.u32 v22, v26  }
0x49: {  	v32 =	vor.u32 $0x2, v33;
	v27 =	vand.u32 $0xC00, v27;
	v36 =	vor.u32 v22, v31;
	v21 =	vld.idx.msk [tilespmem:v21+s3+$0x0], $0xffff  }
0x4a: {  	v37 =	vand.u32 $0xC00, v24;
	v26 =	vor.u32 v48, v26;
	v35 =	vor.u32 v27, v20;
	v22 =	vld.idx.msk [tilespmem:v23+s3+$0x0], $0xffff  }
0x4b: {  	v40 =	vor.u32 $0x3, v38;
	v54 =	vor.u32 v37, v20;
	v39 =	vor.u32 v32, v35;
	v24 =	vld.idx.msk [tilespmem:v29+s3+$0x0], $0xffff  }
0x4c: {  	v42 =	vor.u32 $0x2, v38;
	v43 =	vor.u32 v40, v54;
	v30 =	vld.idx.msk [tilespmem:v30+s3+$0x0], $0xffff  }
0x4d: {  	v46 =	vor.u32 v27, v19;
	v27 =	vor.u32 v42, v54;
	v23 =	vld.idx.msk [tilespmem:v34+s3+$0x0], $0xffff  }
0x4e: {  	v44 =	vor.u32 $0x1, v33;
	v29 =	vor.u32 v33, v35;
	v28 =	vld.idx.msk [tilespmem:v36+s3+$0x0], $0xffff  }
0x4f: {  	v25 =	vor.u32 v33, v46;
	v47 =	vor.u32 v44, v35;
	v57 =	vor.u32 v44, v46;
	v44 =	vld.idx.msk [tilespmem:v26+s3+$0x0], $0xffff  }
0x50: {  	s31 =	simm.s32 $0x8;
	v45 =	vor.u32 v32, v46;
	v34 =	vld.idx.msk [tilespmem:v39+s3+$0x0], $0xffff  }
0x51: {  	v7 =	vmov s31;
	v50 =	vor.u32 v37, v19;
	v32 =	vld.idx.msk [tilespmem:v43+s3+$0x0], $0xffff  }
0x52: {  	v8 =	vshll.u32 v7, $0x3;
	v55 =	vor.u32 $0x1, v38;
	v10 =	vor.u32 v38, v50;
	v27 =	vld.idx.msk [tilespmem:v27+s3+$0x0], $0xffff  }
0x53: {  	v53 =	vor.u32 v55, v50;
	v36 =	vand.u32 $0x78, v7;
	v41 =	vld.idx.msk [tilespmem:v29+s3+$0x0], $0xffff;
	v29 =	vand.u32 $0xC00, v8  }
0x54: {  	v9 =	vor.u32 $0x3, v36;
	v39 =	vld.idx.msk [tilespmem:v25+s3+$0x0], $0xffff;
	v51 =	vor.u32 v29, v19  }
0x55: {  	v45 =	vld.idx.msk [tilespmem:v45+s3+$0x0], $0xffff;
	v49 =	vor.u32 v29, v20;
	v29 =	vor.u32 v9, v51  }
0x56: {  	v56 =	vor.u32 $0x2, v36;
	v37 =	vld.idx.msk [tilespmem:v47+s3+$0x0], $0xffff;
	v52 =	vor.u32 v9, v49  }
0x57: {  	v58 =	vor.u32 $0x1, v36;
	v25 =	vld.idx.msk [tilespmem:v10+s3+$0x0], $0xffff;
	v59 =	vor.u32 v56, v49  }
0x58: {  	v11 =	vor.u32 $0x3, v33;
	v47 =	vld.idx.msk [tilespmem:v53+s3+$0x0], $0xffff;
	v60 =	vor.u32 v58, v49  }
0x59: {  	v61 =	vor.u32 v11, v35;
	v35 =	vor.u32 v48, v31;
	v53 =	vld.idx.msk [tilespmem:v57+s3+$0x0], $0xffff  }
0x5a: {  	v62 =	vor.u32 v36, v51;
	v36 =	vor.u32 v36, v49;
	v49 =	vor.u32 v11, v46;
	v26 =	vld.idx.msk [tilespmem:v29+s3+$0x0], $0xffff  }
0x5b: {  	s23 =	simm.s32 $0x1;
	v46 =	vor.u32 v58, v51;
	v48 =	vor.u32 v56, v51;
	v51 =	vor.u32 v40, v50;
	v29 =	vld.idx.msk [tilespmem:v52+s3+$0x0], $0xffff  }
0x5c: {  	s23 =	simm.s32 @!p2 $0x0;
	v33 =	vld.idx.msk [tilespmem:v59+s3+$0x0], $0xffff;
	v52 =	vor.u32 v42, v50;
	v50 =	vor.u32 v38, v54;
	v54 =	vor.u32 v55, v54  }
0x5d: {  	s22 =	sshll.u32 s22, $0xE;
	s23 =	sshll.u32 s23, $0xE;
	v43 =	vld.idx.msk [tilespmem:v60+s3+$0x0], $0xffff  }
0x5e: {  	s22 =	sor.u32 $0x8000, s22;
	s23 =	sor.u32 $0x8100, s23;
	v42 =	vld.idx.msk [tilespmem:v61+s3+$0x0], $0xffff  }
0x5f: {  	s25 =	simm.s32 $0x10;
	s26 =	sadd.s32 $0x200, s23;
	s24 =	simm.s32 $0x0;
	v31 =	vld.idx.msk [tilespmem:v62+s3+$0x0], $0xffff  }
.LBB2_3:
0x60: {  	v40 =	vmov s25;
	s28 =	sadd.s32 $0x4, s25;
	s29 =	sadd.s32 $0xC, s25;
	s24 =	sadd.s32 $0x4, s24;
	v49 =	vld.idx.msk [tilespmem:v49+s3+$0x0], $0xffff  }
0x61: {  	v55 =	vshll.u32 v40, $0x3;
	v56 =	vmov s28;
	v57 =	vmov s29;
	p3 =	slt.u32 s24, $0x7C;
	[tilespmem:s23+$0xFFFFFF00] =	vst v41;
	v38 =	vld.idx.msk [tilespmem:v54+s3+$0x0], $0xffff  }
0x62: {  	v41 =	vand.u32 $0x70, v40;
	v54 =	vand.u32 $0x74, v56;
	v40 =	vshll.u32 v56, $0x3;
	[tilespmem:s23+$0xFFFFFF30] =	vst v53;
	v53 =	vld.idx.msk [tilespmem:v46+s3+$0x0], $0xffff  }
0x63: {  	v46 =	vor.u32 $0x2, v41;
	v58 =	vshll.u32 v57, $0x3;
	v56 =	vand.u32 $0xC00, v40;
	[tilespmem:s23+$0xFFFFFF40] =	vst v34;
	v40 =	vld.idx.msk [tilespmem:v48+s3+$0x0], $0xffff  }
0x64: {  	v34 =	vor.u32 v56, v20;
	v48 =	vor.u32 v56, v19;
	v56 =	vor.u32 $0x3, v54;
	[tilespmem:s23+$0xFFFFFF60] =	vst v42;
	v42 =	vld.idx.msk [tilespmem:v52+s3+$0x0], $0xffff  }
0x65: {  	v57 =	vand.u32 $0x7C, v57;
	v52 =	vor.u32 v54, v34;
	v59 =	vor.u32 v54, v48;
	[tilespmem:s23+$0xFFFFFF50] =	vst v45;
	v60 =	vld.idx.msk [tilespmem:v51+s3+$0x0], $0xffff  }
0x66: {  	v45 =	vand.u32 $0xC00, v55;
	v51 =	vor.u32 $0x1, v54;
	v55 =	vor.u32 $0x2, v57;
	[tilespmem:s23+$0xFFFFFF10] =	vst v39;
	v61 =	vld.idx.msk [tilespmem:v50+s3+$0x0], $0xffff  }
0x67: {  	v39 =	vor.u32 v51, v34;
	v50 =	vand.u32 $0xC00, v58;
	v58 =	vor.u32 $0x3, v57;
	v62 =	vld.idx.msk [tilespmem:v35+s3+$0x0], $0xffff;
	[tilespmem:s23+$0xB0] =	vst v47  }
0x68: {  	s28 =	sadd.s32 $0x8, s25;
	v47 =	vor.u32 v45, v20;
	v35 =	vor.u32 v51, v48;
	v51 =	vor.u32 $0x2, v54;
	[tilespmem:s23+$0xFFFFFFE0] =	vst v44;
	v36 =	vld.idx.msk [tilespmem:v36+s3+$0x0], $0xffff  }
0x69: {  	v63 =	vor.u32 $0x1, v57;
	v54 =	vmov s28;
	v44 =	vor.u32 v51, v34;
	[tilespmem:s23+$0xFFFFFF70] =	vst v49  }
0x6a: {  	v51 =	vor.u32 v51, v48;
	v1 =	vshll.u32 v54, $0x3;
	v49 =	vor.u32 v46, v47;
	v59 =	vld.idx.msk [tilespmem:v59+s3+$0x0], $0xffff;
	[tilespmem:s23+$0xFFFFFFD0] =	vst v28  }
0x6b: {  	v2 =	vor.u32 v56, v34;
	v3 =	vor.u32 v50, v20;
	v1 =	vand.u32 $0xC00, v1;
	v52 =	vld.idx.msk [tilespmem:v52+s3+$0x0], $0xffff;
	[tilespmem:s23+$0xFFFFFF20] =	vst v37  }
0x6c: {  	v37 =	vor.u32 $0x1, v41;
	v0 =	vld.idx.msk [tilespmem:v39+s3+$0x0], $0xffff;
	v39 =	vor.u32 v1, v20;
	v1 =	vor.u32 v1, v19;
	[tilespmem:s23+$0xE0] =	vst v32  }
0x6d: {  	v45 =	vor.u32 v45, v19;
	v32 =	vor.u32 v41, v47;
	v4 =	vld.idx.msk [tilespmem:v35+s3+$0x0], $0xffff;
	[tilespmem:s23+$0xFFFFFFC0] =	vst v23  }
0x6e: {  	v5 =	vor.u32 v37, v47;
	v23 =	vld.idx.msk [tilespmem:v44+s3+$0x0], $0xffff;
	v44 =	vand.u32 $0x78, v54;
	v54 =	vor.u32 v58, v3;
	[tilespmem:s23+$0x20] =	vst v43  }
0x6f: {  	v35 =	vor.u32 v56, v48;
	v48 =	vor.u32 v55, v3;
	v43 =	vor.u32 $0x3, v41;
	v28 =	vld.idx.msk [tilespmem:v51+s3+$0x0], $0xffff;
	[tilespmem:s23+$0xFFFFFFB0] =	vst v30  }
0x70: {  	v50 =	vor.u32 v50, v19;
	v30 =	vor.u32 v41, v45;
	v51 =	vor.u32 $0x1, v44;
	v34 =	vld.idx.msk [tilespmem:v49+s3+$0x0], $0xffff;
	[tilespmem:s23+$0x0] =	vst v36  }
0x71: {  	v56 =	vor.u32 v46, v45;
	v6 =	vor.u32 v43, v47;
	v36 =	vor.u32 v44, v39;
	[tilespmem:s23+$0xC0] =	vst v27  }
0x72: {  	v47 =	vor.u32 v63, v50;
	v49 =	vor.u32 v43, v45;
	v43 =	vor.u32 $0x2, v44;
	v41 =	vld.idx.msk [tilespmem:v32+s3+$0x0], $0xffff;
	[tilespmem:s23+$0xFFFFFFA0] =	vst v24  }
0x73: {  	v7 =	vor.u32 v44, v1;
	v46 =	vor.u32 v51, v1;
	v24 =	vor.u32 $0x3, v44;
	v32 =	vld.idx.msk [tilespmem:v54+s3+$0x0], $0xffff;
	[tilespmem:s23+$0xFFFFFF90] =	vst v21  }
0x74: {  	v8 =	vor.u32 v51, v39;
	v9 =	vor.u32 v43, v39;
	v21 =	vmov v59;
	v27 =	vld.idx.msk [tilespmem:v48+s3+$0x0], $0xffff;
	[tilespmem:s23+$0xFFFFFF80] =	vst v22  }
0x75: {  	v11 =	vor.u32 v57, v50;
	v59 =	vor.u32 v37, v45;
	v10 =	vor.u32 v24, v39;
	[tilespmem:s23+$0xFFFFFFF0] =	vst v62  }
0x76: {  	v48 =	vor.u32 v43, v1;
	v1 =	vor.u32 v24, v1;
	v22 =	vmov v52;
	v39 =	vld.idx.msk [tilespmem:v30+s3+$0x0], $0xffff;
	[tilespmem:s23+$0x40] =	vst v33  }
0x77: {  	v51 =	vor.u32 v58, v50;
	v52 =	vor.u32 v55, v50;
	v24 =	vmov v0;
	v45 =	vld.idx.msk [tilespmem:v56+s3+$0x0], $0xffff;
	[tilespmem:s23+$0x30] =	vst v53  }
0x78: {  	v54 =	vor.u32 v63, v3;
	v50 =	vor.u32 v57, v3;
	v30 =	vmov v4;
	v37 =	vld.idx.msk [tilespmem:v5+s3+$0x0], $0xffff;
	[tilespmem:s23+$0x60] =	vst v29  }
0x79: {  	v44 =	vld.idx.msk [tilespmem:v2+s3+$0x0], $0xffff;
	[tilespmem:s23+$0x90] =	vst v25  }
0x7a: {  	v25 =	vld.idx.msk [tilespmem:v11+s3+$0x0], $0xffff;
	[tilespmem:s23+$0x80] =	vst v61  }
0x7b: {  	[tilespmem:s23+$0x70] =	vst v26;
	v26 =	vld.idx.msk [tilespmem:v1+s3+$0x0], $0xffff  }
0x7c: {  	v29 =	vld.idx.msk [tilespmem:v10+s3+$0x0], $0xffff;
	[tilespmem:s23+$0xF0] =	vst v60  }
0x7d: {  	v47 =	vld.idx.msk [tilespmem:v47+s3+$0x0], $0xffff;
	[tilespmem:s23+$0xA0] =	vst v38  }
.Ltmp2:
0x7e: {  	v53 =	vld.idx.msk [tilespmem:v59+s3+$0x0], $0xffff;
	[tilespmem:s23+$0x50] =	vst v40;
	(pc) =	sbr.rel @p3 .LBB2_3-.Ltmp2, $4  }
0x7f: {  	v33 =	vld.idx.msk [tilespmem:v9+s3+$0x0], $0xffff;
	[tilespmem:s23+$0xD0] =	vst v42  }
0x80: {  	v43 =	vld.idx.msk [tilespmem:v8+s3+$0x0], $0xffff;
	[tilespmem:s23+$0x10] =	vst v31;
	s23 =	smov.u32 s26  }
0x81: {  	v42 =	vld.idx.msk [tilespmem:v6+s3+$0x0], $0xffff  }
0x82: {  	s25 =	sadd.s32 $0x10, s25;
	s26 =	sadd.s32 $0x200, s26;
	v31 =	vld.idx.msk [tilespmem:v7+s3+$0x0], $0xffff  }
0x83: {  	_ =	sdelay $0x3  }
0x84: {  	v0 =	vld.idx.msk [tilespmem:v49+s3+$0x0], $0xffff;
	[tilespmem:s23+$0xFFFFFF00] =	vst v41  }
0x85: {  	[tilespmem:s23+$0xFFFFFF30] =	vst v53  }
0x86: {  	v1 =	vld.idx.msk [tilespmem:v54+s3+$0x0], $0xffff;
	[tilespmem:s23+$0xFFFFFF40] =	vst v34  }
0x87: {  	v2 =	vld.idx.msk [tilespmem:v52+s3+$0x0], $0xffff;
	[tilespmem:s23+$0xFFFFFF50] =	vst v45  }
0x88: {  	v3 =	vld.idx.msk [tilespmem:v51+s3+$0x0], $0xffff;
	[tilespmem:s23+$0xFFFFFF10] =	vst v39  }
0x89: {  	v4 =	vld.idx.msk [tilespmem:v50+s3+$0x0], $0xffff;
	[tilespmem:s23+$0xB0] =	vst v47  }
0x8a: {  	v5 =	vld.idx.msk [tilespmem:v35+s3+$0x0], $0xffff;
	[tilespmem:s23+$0xFFFFFFE0] =	vst v44  }
0x8b: {  	[tilespmem:s23+$0xFFFFFFD0] =	vst v28  }
0x8c: {  	[tilespmem:s23+$0xFFFFFF20] =	vst v37  }
0x8d: {  	[tilespmem:s23+$0xE0] =	vst v32  }
0x8e: {  	[tilespmem:s23+$0xFFFFFFC0] =	vst v23  }
0x8f: {  	[tilespmem:s23+$0xFFFFFFB0] =	vst v30  }
0x90: {  	[tilespmem:s23+$0xC0] =	vst v27  }
0x91: {  	[tilespmem:s23+$0xFFFFFFA0] =	vst v24  }
0x92: {  	v63 =	vld.idx.msk [tilespmem:v36+s3+$0x0], $0xffff;
	[tilespmem:s23+$0xFFFFFF90] =	vst v21  }
0x93: {  	v6 =	vld.idx.msk [tilespmem:v46+s3+$0x0], $0xffff;
	[tilespmem:s23+$0xFFFFFF80] =	vst v22  }
0x94: {  	v7 =	vld.idx.msk [tilespmem:v48+s3+$0x0], $0xffff;
	[tilespmem:s23+$0x60] =	vst v29  }
0x95: {  	[tilespmem:s23+$0x90] =	vst v25  }
0x96: {  	[tilespmem:s23+$0x70] =	vst v26  }
0x97: {  	[tilespmem:s23+$0x40] =	vst v33  }
0x98: {  	[tilespmem:s23+$0x20] =	vst v43  }
0x99: {  	[tilespmem:s23+$0xFFFFFF60] =	vst v42  }
0x9a: {  	[tilespmem:s23+$0x10] =	vst v31  }
0x9b: {  	[tilespmem:s23+$0xFFFFFF70] =	vst v0  }
0x9c: {  	[tilespmem:s23+$0x0] =	vst v63  }
0x9d: {  	[tilespmem:s23+$0xFFFFFFF0] =	vst v5  }
0x9e: {  	[tilespmem:s23+$0x30] =	vst v6  }
0x9f: {  	[tilespmem:s23+$0x80] =	vst v4  }
0xa0: {  	p3 =	sne.s32 s21, $0x3D;
	[tilespmem:s23+$0xF0] =	vst v3  }
.Ltmp3:
0xa1: {  	[tilespmem:s23+$0xA0] =	vst v1;
	(pc) =	sbr.rel @p3 .LBB2_2-.Ltmp3, $4  }
0xa2: {  	s20 =	sshll.u32 s20, $0xB;
	[tilespmem:s23+$0x50] =	vst v7  }
0xa3: {  	s20 =	sadd.s32 s20, s5;
	[tilespmem:s23+$0xD0] =	vst v2  }
0xa4: {  	[hbm4b:s20+s3] =	stream.linear.scatter [tilespmem:s22], [sflag:$0x2], $0x4000, $0x38;
	[tilespmem:$0x12000] =	vst v63  }
0xa5: {  	p2 =	por !p2, !p2;
	s20 =	smov.u32 s21  }
0xa6: {  	_ =	swait.ge [sflag:s13], $0x4000  }
0xa7: {  	[sflag:s13] =	ssyncset.done $0x0  }
0xa8: {  	[sflag:s13] =	ssyncadd.s32 $0xFFFFC000  }
0xa9: {  	_ =	swait.ge [sflag:s13], $0x4000  }
0xaa: {  	v27 =	vld [tilespmem:$0x1FF80]  }
0xab: {  	v28 =	vld [tilespmem:$0x1FF90]  }
0xac: {  	v29 =	vld [tilespmem:$0x1FFA0]  }
.Ltmp4:
0xad: {  	v30 =	vld [tilespmem:$0x1FFB0];
	(pc) =	sbr.rel @p0 .LBB2_9-.Ltmp4, $4  }
0xae: {  	v31 =	vld [tilespmem:$0x1FFC0]  }
0xaf: {  	v9 =	vld [tilespmem:$0x1FFD0]  }
0xb0: {  	[sflag:s13] =	ssyncset.done $0x0;
	v10 =	vld [tilespmem:$0x1FFE0]  }
0xb1: {  	v8 =	vlaneseq.u32;
	v11 =	vld [tilespmem:$0x1FFF0];
	[sflag:s13] =	ssyncadd.s32 $0xFFFFC000  }
0xb2: {  	s20 =	simm.s32 $0x0  }
0xb3: {  	[tilespmem:s20], [sflag:$0x3] =	stream.linear.gather [hbm4b:s6+s20], $0x400, $0x38;
	[tilespmem:$0x12000] =	vst v63  }
0xb4: {  	s21 =	sadd.s32 $0xF4280, s6  }
0xb5: {  	[tilespmem:s10], [sflag:$0x3] =	stream.linear.gather [hbm4b:s21+s20], $0x400, $0x38;
	[tilespmem:$0x12000] =	vst v63  }
0xb6: {  	s30 =	sadd.s32 $0x1E8500, s6  }
0xb7: {  	[tilespmem:s14], [sflag:$0x3] =	stream.linear.gather [hbm4b:s30+s20], $0x400, $0x38;
	[tilespmem:$0x12000] =	vst v63  }
0xb8: {  	s31 =	sadd.s32 $0x2DC780, s6;
	v0 =	vor.u32 s20, v27  }
0xb9: {  	v1 =	vor.u32 s20, v11;
	[tilespmem:s15], [sflag:$0x3] =	stream.linear.gather [hbm4b:s31+s20], $0x400, $0x38;
	[tilespmem:$0x12000] =	vst v63  }
0xba: {  	v2 =	vor.u32 s20, v28;
	_ =	swait.ge [sflag:s16], $0x1000  }
0xbb: {  	v3 =	vor.u32 s20, v29;
	[sflag:s16] =	ssyncset.done $0x0  }
0xbc: {  	v4 =	vor.u32 s20, v30;
	[sflag:s16] =	ssyncadd.s32 $0xFFFFF000  }
0xbd: {  	v5 =	vor.u32 s20, v31;
	v0 =	vld.idx.msk [tilespmem:v0+s3+$0x0], $0xffff  }
0xbe: {  	v6 =	vor.u32 s20, v9;
	v1 =	vld.idx.msk [tilespmem:v1+s3+$0x0], $0xffff  }
0xbf: {  	v7 =	vor.u32 s20, v10;
	v2 =	vld.idx.msk [tilespmem:v2+s3+$0x0], $0xffff  }
0xc0: {  	v3 =	vld.idx.msk [tilespmem:v3+s3+$0x0], $0xffff  }
0xc1: {  	v4 =	vld.idx.msk [tilespmem:v4+s3+$0x0], $0xffff  }
0xc2: {  	v21 =	vld.idx.msk [tilespmem:v5+s3+$0x0], $0xffff  }
0xc3: {  	s20 =	simm.s32 $0x8040;
	v19 =	vld.idx.msk [tilespmem:v6+s3+$0x0], $0xffff  }
0xc4: {  	v20 =	vld.idx.msk [tilespmem:v7+s3+$0x0], $0xffff;
	[tilespmem:s20+$0x30] =	vst v1  }
0xc5: {  	[tilespmem:s20+$0xFFFFFFC0] =	vst v0  }
0xc6: {  	s21 =	simm.s32 $0x4;
	[tilespmem:s20+$0xFFFFFFD0] =	vst v2  }
0xc7: {  	v23 =	vor.u32 s21, v27;
	[tilespmem:s20+$0xFFFFFFE0] =	vst v3  }
0xc8: {  	s22 =	simm.s32 $0x8;
	v22 =	vor.u32 s21, v11;
	[tilespmem:s20+$0xFFFFFFF0] =	vst v4  }
.LBB2_7:
0xc9: {  	p2 =	sne.s32 s22, $0x7C;
	v0 =	vor.u32 s21, v28;
	[tilespmem:s20+$0x0] =	vst v21  }
0xca: {  	v1 =	vor.u32 s21, v29;
	[tilespmem:s20+$0x10] =	vst v19  }
0xcb: {  	v2 =	vor.u32 s21, v30;
	[tilespmem:s20+$0x20] =	vst v20  }
0xcc: {  	v4 =	vor.u32 s21, v31;
	v3 =	vld.idx.msk [tilespmem:v23+s3+$0x0], $0xffff  }
0xcd: {  	v5 =	vor.u32 s21, v9;
	v6 =	vld.idx.msk [tilespmem:v22+s3+$0x0], $0xffff  }
0xce: {  	v7 =	vor.u32 s21, v10;
	s21 =	smov.u32 s22;
	v0 =	vld.idx.msk [tilespmem:v0+s3+$0x0], $0xffff  }
0xcf: {  	v1 =	vld.idx.msk [tilespmem:v1+s3+$0x0], $0xffff  }
0xd0: {  	v2 =	vld.idx.msk [tilespmem:v2+s3+$0x0], $0xffff  }
0xd1: {  	v21 =	vld.idx.msk [tilespmem:v4+s3+$0x0], $0xffff  }
0xd2: {  	s20 =	sadd.s32 $0x80, s20;
	v19 =	vld.idx.msk [tilespmem:v5+s3+$0x0], $0xffff  }
.Ltmp5:
0xd3: {  	v20 =	vld.idx.msk [tilespmem:v7+s3+$0x0], $0xffff;
	[tilespmem:s20+$0x30] =	vst v6;
	(pc) =	sbr.rel @p2 .LBB2_7-.Ltmp5, $4  }
0xd4: {  	[tilespmem:s20+$0xFFFFFFC0] =	vst v3  }
0xd5: {  	[tilespmem:s20+$0xFFFFFFD0] =	vst v0  }
0xd6: {  	v23 =	vor.u32 s22, v27;
	[tilespmem:s20+$0xFFFFFFE0] =	vst v1  }
0xd7: {  	s22 =	sadd.s32 $0x4, s22;
	v22 =	vor.u32 s21, v11;
	[tilespmem:s20+$0xFFFFFFF0] =	vst v2  }
0xd8: {  	_ = 	snop  }
0xd9: {  	v0 =	vor.u32 s21, v28;
	[tilespmem:s20+$0x0] =	vst v21  }
0xda: {  	v1 =	vor.u32 s21, v29;
	[tilespmem:s20+$0x10] =	vst v19  }
0xdb: {  	v2 =	vor.u32 s21, v30;
	[tilespmem:s20+$0x20] =	vst v20  }
0xdc: {  	v4 =	vor.u32 s21, v31;
	v3 =	vld.idx.msk [tilespmem:v23+s3+$0x0], $0xffff  }
0xdd: {  	v5 =	vor.u32 s21, v9;
	v6 =	vld.idx.msk [tilespmem:v22+s3+$0x0], $0xffff  }
0xde: {  	v7 =	vor.u32 s21, v10;
	v0 =	vld.idx.msk [tilespmem:v0+s3+$0x0], $0xffff  }
0xdf: {  	v1 =	vld.idx.msk [tilespmem:v1+s3+$0x0], $0xffff  }
0xe0: {  	v2 =	vld.idx.msk [tilespmem:v2+s3+$0x0], $0xffff  }
0xe1: {  	v4 =	vld.idx.msk [tilespmem:v4+s3+$0x0], $0xffff  }
0xe2: {  	s31 =	sadd.s32 $0x80, s20;
	v5 =	vld.idx.msk [tilespmem:v5+s3+$0x0], $0xffff  }
0xe3: {  	v7 =	vld.idx.msk [tilespmem:v7+s3+$0x0], $0xffff;
	[tilespmem:s31+$0x30] =	vst v6  }
0xe4: {  	[tilespmem:s31+$0xFFFFFFC0] =	vst v3  }
0xe5: {  	[tilespmem:s31+$0xFFFFFFD0] =	vst v0  }
0xe6: {  	[tilespmem:s31+$0xFFFFFFE0] =	vst v1  }
0xe7: {  	[tilespmem:s31+$0xFFFFFFF0] =	vst v2  }
0xe8: {  	[tilespmem:s31+$0x0] =	vst v4  }
0xe9: {  	[tilespmem:s31+$0x10] =	vst v5  }
0xea: {  	[tilespmem:s31+$0x20] =	vst v7  }
0xeb: {  	[hbm4b:s7+s3] =	stream.linear.scatter [tilespmem:s17], [sflag:$0x3], $0x1000, $0x38;
	[tilespmem:$0x12000] =	vst v63  }
0xec: {  	_ =	swait.ge [sflag:s16], $0x1000  }
0xed: {  	[sflag:s16] =	ssyncset.done $0x0  }
0xee: {  	[sflag:s16] =	ssyncadd.s32 $0xFFFFF000  }
.LBB2_9:
.Ltmp6:
0xef: {  	(pc) =	sbr.rel @p1 .LBB2_13-.Ltmp6, $1  }
0xf0: {  	_ =	sdelay $0x3  }
0xf1: {  	s20 =	simm.s32 $0x0  }
0xf2: {  	v0 =	vmov s20  }
0xf3: {  	v0 =	vshll.u32 v0, $0x7  }
0xf4: {  	v0 =	vbroadcast v0, $0x0;
	_ =	sdelay $0x1  }
0xf5: {  	v1 =	vor.u32 v8, v0  }
0xf6: {  	[tilespmem:s18], [sflag:$0x3] =	stream.linear.gather [hbm4b:s1+s20], $0x2000, $0x38;
	v2 =	vor.u32 v18, v0;
	[tilespmem:$0x12000] =	vst v63  }
0xf7: {  	_ =	swait.ge [sflag:s16], $0x2000;
	v3 =	vor.u32 v12, v0  }
0xf8: {  	[sflag:s16] =	ssyncset.done $0x0;
	v4 =	vor.u32 v13, v0  }
0xf9: {  	[sflag:s16] =	ssyncadd.s32 $0xFFFFE000;
	v5 =	vor.u32 v14, v0  }
0xfa: {  	v62 =	vor.u32 v15, v0;
	v19 =	vld.idx.msk [tilespmem:v1+s18+$0x0], $0xffff  }
0xfb: {  	v6 =	vor.u32 v16, v0;
	v2 =	vld.idx.msk [tilespmem:v2+s18+$0x0], $0xffff  }
0xfc: {  	v0 =	vor.u32 v17, v0;
	v24 =	vld.idx.msk [tilespmem:v3+s18+$0x0], $0xffff  }
0xfd: {  	v25 =	vld.idx.msk [tilespmem:v4+s18+$0x0], $0xffff  }
0xfe: {  	v22 =	vld.idx.msk [tilespmem:v5+s18+$0x0], $0xffff  }
0xff: {  	s21 =	simm.s32 $0x4;
	v20 =	vld.idx.msk [tilespmem:v62+s18+$0x0], $0xffff  }
0x100: {  	s20 =	simm.s32 $0x8040;
	v63 =	vmov s21;
	v21 =	vld.idx.msk [tilespmem:v6+s18+$0x0], $0xffff  }
0x101: {  	s21 =	simm.s32 $0x8;
	v26 =	vshll.u32 v63, $0x7;
	v23 =	vld.idx.msk [tilespmem:v0+s18+$0x0], $0xffff;
	[tilespmem:s20+$0x30] =	vst v2  }
.LBB2_11:
0x102: {  	p2 =	sne.s32 s21, $0x3C;
	v0 =	vbroadcast v26, $0x0;
	[tilespmem:s20+$0xFFFFFFC0] =	vst v19  }
0x103: {  	[tilespmem:s20+$0xFFFFFFD0] =	vst v24  }
0x104: {  	v1 =	vor.u32 v8, v0;
	[tilespmem:s20+$0xFFFFFFE0] =	vst v25  }
0x105: {  	v2 =	vor.u32 v18, v0;
	[tilespmem:s20+$0xFFFFFFF0] =	vst v22  }
0x106: {  	v3 =	vor.u32 v12, v0;
	[tilespmem:s20+$0x0] =	vst v20  }
0x107: {  	v4 =	vor.u32 v13, v0;
	[tilespmem:s20+$0x10] =	vst v21  }
0x108: {  	v5 =	vor.u32 v14, v0;
	[tilespmem:s20+$0x20] =	vst v23  }
0x109: {  	v19 =	vld.idx.msk [tilespmem:v1+s18+$0x0], $0xffff;
	v1 =	vor.u32 v15, v0  }
0x10a: {  	v6 =	vor.u32 v16, v0;
	v2 =	vld.idx.msk [tilespmem:v2+s18+$0x0], $0xffff  }
0x10b: {  	v0 =	vor.u32 v17, v0;
	v24 =	vld.idx.msk [tilespmem:v3+s18+$0x0], $0xffff  }
.Ltmp7:
0x10c: {  	v25 =	vld.idx.msk [tilespmem:v4+s18+$0x0], $0xffff;
	(pc) =	sbr.rel @p2 .LBB2_11-.Ltmp7, $4  }
0x10d: {  	v22 =	vld.idx.msk [tilespmem:v5+s18+$0x0], $0xffff  }
0x10e: {  	v20 =	vld.idx.msk [tilespmem:v1+s18+$0x0], $0xffff  }
0x10f: {  	s20 =	sadd.s32 $0x80, s20;
	v1 =	vmov s21;
	v21 =	vld.idx.msk [tilespmem:v6+s18+$0x0], $0xffff  }
0x110: {  	s21 =	sadd.s32 $0x4, s21;
	v26 =	vshll.u32 v1, $0x7;
	v23 =	vld.idx.msk [tilespmem:v0+s18+$0x0], $0xffff;
	[tilespmem:s20+$0x30] =	vst v2  }
0x111: {  	v0 =	vbroadcast v26, $0x0;
	[tilespmem:s20+$0xFFFFFFC0] =	vst v19  }
0x112: {  	[tilespmem:s20+$0xFFFFFFD0] =	vst v24  }
0x113: {  	[tilespmem:s20+$0xFFFFFFE0] =	vst v25;
	v1 =	vor.u32 v8, v0  }
0x114: {  	[tilespmem:s20+$0xFFFFFFF0] =	vst v22;
	v2 =	vor.u32 v18, v0  }
0x115: {  	v3 =	vor.u32 v12, v0;
	[tilespmem:s20+$0x0] =	vst v20  }
0x116: {  	v4 =	vor.u32 v13, v0;
	[tilespmem:s20+$0x10] =	vst v21  }
0x117: {  	v5 =	vor.u32 v14, v0;
	[tilespmem:s20+$0x20] =	vst v23  }
0x118: {  	v6 =	vor.u32 v15, v0;
	v1 =	vld.idx.msk [tilespmem:v1+s18+$0x0], $0xffff  }
0x119: {  	v7 =	vor.u32 v16, v0;
	v2 =	vld.idx.msk [tilespmem:v2+s18+$0x0], $0xffff  }
0x11a: {  	v0 =	vor.u32 v17, v0;
	v3 =	vld.idx.msk [tilespmem:v3+s18+$0x0], $0xffff  }
0x11b: {  	v4 =	vld.idx.msk [tilespmem:v4+s18+$0x0], $0xffff  }
0x11c: {  	v5 =	vld.idx.msk [tilespmem:v5+s18+$0x0], $0xffff  }
0x11d: {  	v6 =	vld.idx.msk [tilespmem:v6+s18+$0x0], $0xffff  }
0x11e: {  	s31 =	sadd.s32 $0x80, s20;
	v7 =	vld.idx.msk [tilespmem:v7+s18+$0x0], $0xffff  }
0x11f: {  	v0 =	vld.idx.msk [tilespmem:v0+s18+$0x0], $0xffff;
	[tilespmem:s31+$0x30] =	vst v2  }
0x120: {  	[tilespmem:s31+$0xFFFFFFC0] =	vst v1  }
0x121: {  	[tilespmem:s31+$0xFFFFFFD0] =	vst v3  }
0x122: {  	[tilespmem:s31+$0xFFFFFFE0] =	vst v4  }
0x123: {  	[tilespmem:s31+$0xFFFFFFF0] =	vst v5  }
0x124: {  	[tilespmem:s31+$0x0] =	vst v6  }
0x125: {  	[tilespmem:s31+$0x10] =	vst v7  }
.Ltmp8:
0x126: {  	[tilespmem:s31+$0x20] =	vst v0;
	(pc) =	sbr.rel .LBB2_13-.Ltmp8, $4  }
0x127: {  	[hbm4b:s8+s3] =	stream.linear.scatter [tilespmem:s17], [sflag:$0x3], $0x800, $0x38;
	[tilespmem:$0x12000] =	vst v63  }
0x128: {  	_ =	swait.ge [sflag:s16], $0x800  }
0x129: {  	[sflag:s16] =	ssyncset.done $0x0  }
0x12a: {  	[sflag:s16] =	ssyncadd.s32 $0xFFFFF800  }
.LBB2_14:
0x12b: {  	_ =	sfence.sel $0x180000  }
0x12c: {  	[bflag:$0x0] =	sbarrier.arrive $0xFFFF  }
0x12d: {  	p0 =	sne.s32 s0, $0x0;
	_ =	strace $0x90000047  }
0x12e: {  	s0 =	sadd.s32 @!p0 $0x100000, s2;
	[bflag:$0x2] =	sbarrier.arrive $0xFFFF  }
0x12f: {  	[sflag:s0] =	ssyncadd.tile.s32 @!p0 $0x1;
	_ =	shalt  }
.Lfunc_end2:
_tile_overlayer_lowered:
.L_overlay_start_2:
0x130: {  	(tag) =	ssettag $0x2  }
0x131: {  	s0 =	rddreg [dreg:$0x0];
	s2 =	stileid.u32  }
0x132: {  	s1 =	rddreg [dreg:$0x1];
	p0 =	sne.s32 s2, $0x0  }
0x133: {  	s3 =	rddreg [dreg:$0x2];
	[bflag:$0x3] =	sbarrier.arrive $0xFFFF;
	s2 =	simm.s32 @!p0 $0x1C03  }
0x134: {  	[timem:s3], [sflag:s2] =	dma.local @!p0 [hbm:s0], s1  }
0x135: {  	s0 =	simm.s32 @!p0 $0x3  }
0x136: {  	_ =	swait.ge @!p0 [sflag:s0], s1  }
0x137: {  	s1 =	ssub.s32 @!p0 $0x0, s1;
	[sflag:s0] =	ssyncset.done @!p0 $0x0  }
0x138: {  	[sflag:s0] =	ssyncadd.s32 @!p0 s1  }
0x139: {  	[bflag:$0x3] =	sbarrier.arrive $0xFFFF  }
0x13a: {  	_ =	shalt  }

// kernel: kernel.7.cloned.1.call-start
scs
__scs_entry_jumppad:
0x0: {  	(pc) =	sbr.rel $0x88, $3  }
0x1: {  	(tag) =	ssettag $0x0;
	lr =	simm.s32 $0x1  }
0x2: {  	[smem:$0x3F9F] =	sst lr;
	_ =	strace $0xD0000000  }
0x3: {  	_ = 	snop  }
0x4: {  	_ = 	snop  }
0x5: {  	_ = 	snop  }
0x6: {  	_ = 	snop  }
0x7: {  	_ = 	snop  }
__scs_overlays_trampoline_lowered:
0x8: {  	[smem:$0x3FAE] =	sst s0  }
0x9: {  	[smem:$0x3FAF] =	sst s1  }
0xa: {  	[smem:$0x3FB0] =	sst s2  }
0xb: {  	[smem:$0x3FB1] =	sst s3  }
0xc: {  	[smem:$0x3FB2] =	sst s4  }
0xd: {  	[smem:$0x3FB3] =	sst s5  }
0xe: {  	[smem:$0x3FB4] =	sst s6  }
0xf: {  	[smem:$0x3FB5] =	sst s7  }
0x10: {  	[smem:$0x3FB6] =	sst s8  }
0x11: {  	[smem:$0x3FB7] =	sst s9;
	s0 =	simm.s32 @!p0 $0x0  }
0x12: {  	s1 =	sld [smem:$0x3F9D];
	s0 =	simm.s32 @p0 $0x1  }
0x13: {  	[smem:$0x3FB8] =	sst s0;
	s0 =	simm.s32 @!p1 $0x0  }
0x14: {  	s2 =	sld [smem:$0x3F9C];
	s0 =	simm.s32 @p1 $0x1  }
0x15: {  	[smem:$0x3FB9] =	sst s0;
	s0 =	simm.s32 @!p2 $0x0  }
0x16: {  	s3 =	sld [smem:$0x3FDB];
	s0 =	simm.s32 @p2 $0x1  }
0x17: {  	s4 =	simm.s32 $0x1BF5;
	[smem:$0x3FBB] =	sst s0  }
0x18: {  	s0 =	sld [smem:$0x3F9E];
	_ =	swait.ge [sflag:s4], $0x0  }
0x19: {  	s7 =	sld [smem:$0x3F9F]  }
0x1a: {  	s8 =	sadd.s32 $0xFFFFE003, lr  }
0x1b: {  	s9 =	sadd.s32 $0xFFFFFEF7, lr;
	s5 =	simm.s32 $0xFFFFFFFF;
	p2 =	slt.u32 s8, $0xFFFFF086  }
0x1c: {  	p1 =	slt.u32 s9, $0xF7A;
	s5 =	simm.s32 @!p2 $0x0  }
0x1d: {  	s5 =	simm.s32 @p1 $0x1;
	p0 =	seq.s32 s7, s2  }
0x1e: {  	s7 =	smul.u32 @!p0 $0xF7A, s2;
	p2 =	seq.s32 @!p0 s5, $0x0  }
0x1f: {  	s9 =	smul.u32 $0xF7A, s1;
	s8 =	simm.s32 @!p0 $0x1BF5;
	p2 =	por !p2, p0  }
0x20: {  	[sflag:s8] =	ssyncset.s32 @!p0 $0xFFFFF086;
	s6 =	sadd.s32 @!p0 s3, s7;
	s7 =	simm.s32 @!p0 $0x108  }
0x21: {  	s3 =	sadd.s32 s3, s9;
	s6 =	sadd.s32 @!p0 $0x88, s6;
	s7 =	simm.s32 @p2 $0x1082  }
0x22: {  	[simem:s7], [sflag:s8] =	dma.local @!p0 [hbm:s6], $0xF7A  }
0x23: {  	s9 =	sor.u32 $0xD0000000, s2;
	s6 =	simm.s32 $0x108;
	_ =	swait.ge @!p0 [sflag:s8], $0x0  }
0x24: {  	s3 =	sadd.s32 $0x88, s3;
	s6 =	simm.s32 @!p1 $0x1082;
	[sflag:s4] =	ssyncset.s32 $0xFFFFF086  }
0x25: {  	[simem:s6], [sflag:s4] =	dma.local [hbm:s3], $0xF7A  }
0x26: {  	[smem:$0x3F9F] =	sst s1;
	(tag) =	ssettag s2;
	_ =	strace s9  }
0x27: {  	s1 =	sld [smem:$0x3FAF]  }
0x28: {  	s2 =	sld [smem:$0x3FB0]  }
0x29: {  	s4 =	sld [smem:$0x3FB2]  }
0x2a: {  	p0 =	seq.s32 s5, $0x0;
	s5 =	sld [smem:$0x3FB3]  }
0x2b: {  	s6 =	sld [smem:$0x3FB4]  }
0x2c: {  	s7 =	sld [smem:$0x3FB5]  }
0x2d: {  	s3 =	simm.s32 $0x108;
	s8 =	sld [smem:$0x3FB6]  }
0x2e: {  	s3 =	simm.s32 @!p0 $0x1082;
	s9 =	sld [smem:$0x3FB7]  }
0x2f: {  	lr =	sadd.s32 s0, s3;
	s0 =	sld [smem:$0x3FAE]  }
0x30: {  	s3 =	sld [smem:$0x3FB1]  }
0x31: {  	[smem:$0x3FBA] =	sst s10  }
0x32: {  	s10 =	sld [smem:$0x3FB8];
	_ =	sdelay $0x3  }
0x33: {  	p0 =	seq.s32 s10, $0x1;
	s10 =	sld [smem:$0x3FBA];
	_ =	sdelay $0x3  }
0x34: {  	[smem:$0x3FBA] =	sst s10  }
0x35: {  	s10 =	sld [smem:$0x3FB9];
	_ =	sdelay $0x3  }
0x36: {  	p1 =	seq.s32 s10, $0x1;
	s10 =	sld [smem:$0x3FBA];
	_ =	sdelay $0x3  }
0x37: {  	[smem:$0x3FBA] =	sst s10  }
0x38: {  	s10 =	sld [smem:$0x3FBB]  }
0x39: {  	_ = 	snop;
	(pc) =	sbr.ind lr, $3  }
0x3a: {  	_ = 	snop  }
0x3b: {  	_ = 	snop  }
0x3c: {  	p2 =	seq.s32 s10, $0x1;
	s10 =	sld [smem:$0x3FBA]  }
0x3d: {  	_ =	shalt  }
0x3e: {  	_ =	shalt  }
0x3f: {  	_ =	shalt  }
0x40: {  	_ =	shalt  }
0x41: {  	_ =	shalt  }
0x42: {  	_ =	shalt  }
0x43: {  	_ =	shalt  }
0x44: {  	_ =	shalt  }
0x45: {  	_ =	shalt  }
0x46: {  	_ =	shalt  }
0x47: {  	_ =	shalt  }
0x48: {  	_ =	shalt  }
0x49: {  	_ =	shalt  }
0x4a: {  	_ =	shalt  }
0x4b: {  	_ =	shalt  }
0x4c: {  	_ =	shalt  }
0x4d: {  	_ =	shalt  }
0x4e: {  	_ =	shalt  }
0x4f: {  	_ =	shalt  }
0x50: {  	_ =	shalt  }
0x51: {  	_ =	shalt  }
0x52: {  	_ =	shalt  }
0x53: {  	_ =	shalt  }
0x54: {  	_ =	shalt  }
0x55: {  	_ =	shalt  }
0x56: {  	_ =	shalt  }
0x57: {  	_ =	shalt  }
0x58: {  	_ =	shalt  }
0x59: {  	_ =	shalt  }
0x5a: {  	_ =	shalt  }
0x5b: {  	_ =	shalt  }
0x5c: {  	_ =	shalt  }
0x5d: {  	_ =	shalt  }
0x5e: {  	_ =	shalt  }
0x5f: {  	_ =	shalt  }
0x60: {  	_ =	shalt  }
0x61: {  	_ =	shalt  }
0x62: {  	_ =	shalt  }
0x63: {  	_ =	shalt  }
0x64: {  	_ =	shalt  }
0x65: {  	_ =	shalt  }
0x66: {  	_ =	shalt  }
0x67: {  	_ =	shalt  }
0x68: {  	_ =	shalt  }
0x69: {  	_ =	shalt  }
0x6a: {  	_ =	shalt  }
0x6b: {  	_ =	shalt  }
0x6c: {  	_ =	shalt  }
0x6d: {  	_ =	shalt  }
0x6e: {  	_ =	shalt  }
0x6f: {  	_ =	shalt  }
0x70: {  	_ =	shalt  }
0x71: {  	_ =	shalt  }
0x72: {  	_ =	shalt  }
0x73: {  	_ =	shalt  }
0x74: {  	_ =	shalt  }
0x75: {  	_ =	shalt  }
0x76: {  	_ =	shalt  }
0x77: {  	_ =	shalt  }
0x78: {  	_ =	shalt  }
0x79: {  	_ =	shalt  }
0x7a: {  	_ =	shalt  }
0x7b: {  	_ =	shalt  }
0x7c: {  	_ =	shalt  }
0x7d: {  	_ =	shalt  }
0x7e: {  	_ =	shalt  }
0x7f: {  	_ =	shalt  }
0x80: {  	_ =	shalt  }
0x81: {  	_ =	shalt  }
0x82: {  	_ =	shalt  }
0x83: {  	_ =	shalt  }
0x84: {  	_ =	shalt  }
0x85: {  	_ =	shalt  }
0x86: {  	_ =	shalt  }
0x87: {  	_ =	shalt  }
.Lfunc_end0:
.L_simem_size_0:
called_computation.1_lowered:
.L_overlay_start_0:
0x88: {  	s2 =	sld [smem:$0x3FD9]  }
0x89: {  	s3 =	sld [smem:$0x3FFE];
	_ =	sdelay $0x1  }
0x8a: {  	s1 =	srdreg.scid  }
0x8b: {  	s0 =	sand.u32 $0x1, s1  }
0x8c: {  	s17 =	sshll.u32 s0, $0xA;
	s2 =	sadd.s32 s3, s2  }
0x8d: {  	s2 =	sadd.s32 s2, s17  }
0x8e: {  	[smem:$0x3FC6] =	sst s2  }
0x8f: {  	_ = 	snop  }
0x90: {  	s2 =	sld [smem:$0x3FC9]  }
0x91: {  	s18 =	sld [smem:$0x3FD0];
	(tm) =	ssettm $0x1  }
0x92: {  	s4 =	sld [smem:$0x3FFB];
	_ =	sdelay $0x3  }
0x93: {  	_ =	strace s4  }
0x94: {  	s4 =	sld [smem:$0x3FFC];
	_ =	sdelay $0x3  }
0x95: {  	_ =	strace s4  }
0x96: {  	s4 =	sld [smem:$0x3FFD];
	_ =	sdelay $0x3  }
0x97: {  	_ =	strace s4  }
0x98: {  	_ =	strace $0x8FFFFFFF  }
0x99: {  	s19 =	sld [smem:$0x3FDB];
	_ =	sdelay $0x1  }
0x9a: {  	s5 =	simm.s32 $_scs_section_size  }
0x9b: {  	s6 =	simm.s32 $_size__tile_overlayer_lowered;
	s7 =	simm.s32 $_tile_overlayer_lowered  }
0x9c: {  	s22 =	simm.s32 $0x1BFF;
	s21 =	sshll.u32 s7, $0x1;
	s4 =	sadd.s32 s5, s19  }
0x9d: {  	s8 =	simm.s32 $0x0;
	s20 =	sshll.u32 s6, $0x1;
	s6 =	sadd.s32 s21, s4  }
0x9e: {  	[timem:s8], [sflag:s22] =	dma.local [hbm:s6], s20  }
0x9f: {  	_ =	swait.ge [sflag:s22], s20  }
0xa0: {  	s5 =	ssub.s32 $0x0, s20;
	[sflag:s22] =	ssyncset.done $0x0  }
0xa1: {  	[sflag:s22] =	ssyncadd.s32 s5;
	_ =	sdelay $0x1  }
0xa2: {  	s23 =	simm.s32 $0x1B8B  }
0xa3: {  	_ =	swait.ge [sflag:s23], $0x1  }
0xa4: {  	[sflag:s23] =	ssyncset.done $0x0  }
0xa5: {  	s25 =	simm.s32 $0x1B8E;
	s24 =	sld [smem:$0x3FFE];
	[sflag:s23] =	ssyncadd.s32 $0xFFFFFFFF  }
0xa6: {  	s26 =	simm.s32 $execute0_lowered;
	[smem:$0x3FD2] =	sst s25  }
0xa7: {  	s6 =	sshll.u32 s26, $0x1;
	_ =	strace $0x80000049;
	[dreg:$0x1] =	wrdreg $0xFFFFFFFF  }
0xa8: {  	s28 =	simm.s32 $_size_execute0_lowered;
	s4 =	sadd.s32 s4, s6;
	[dreg:$0x0] =	wrdreg $0x0  }
0xa9: {  	s6 =	sshll.u32 s28, $0x1;
	[dreg:$0x2] =	wrdreg s4  }
0xaa: {  	[dreg:$0x3] =	wrdreg s6  }
0xab: {  	[dreg:$0x4] =	wrdreg $0xC0  }
0xac: {  	_ =	task [dreg:s8], $0x5FFFF  }
0xad: {  	[dreg:$0x1] =	wrdreg $0xFFFFFFFF  }
0xae: {  	[dreg:$0x0] =	wrdreg $0x60  }
0xaf: {  	[dreg:$0x2] =	wrdreg s2  }
0xb0: {  	[dreg:$0x3] =	wrdreg s24  }
0xb1: {  	[dreg:$0x4] =	wrdreg s18  }
0xb2: {  	[dreg:$0x5] =	wrdreg $0x9  }
0xb3: {  	_ =	task.clear_ibuf [dreg:s8], $0x6FFFF;
	_ =	strace $0x90000049  }
0xb4: {  	s29 =	simm.s32 $0x9;
	_ =	strace $0x8000004B  }
0xb5: {  	_ =	swait.ge [sflag:s29], $0x1  }
0xb6: {  	[sflag:s29] =	ssyncadd.s32 $0xFFFFFFFF  }
0xb7: {  	_ =	strace $0x9000004B  }
0xb8: {  	_ =	sfence  }
0xb9: {  	s30 =	sld [smem:$0x0];
	_ =	sdelay $0x2  }
0xba: {  	s31 =	sshll.u32 s1, $0xD;
	s1 =	sshrl.u32 s1, $0x2  }
0xbb: {  	s3 =	sand.u32 $0x4000, s31;
	s1 =	sadd.s32 s1, s30  }
0xbc: {  	s0 =	sor.u32 s3, s0;
	s1 =	sshll.u32 s1, $0x11  }
0xbd: {  	s0 =	sor.u32 s1, s0  }
0xbe: {  	s0 =	sadd.s32 $0x8F2B, s0  }
0xbf: {  	[sflag:s0] =	ssyncadd.remote.s32 $0x1  }
0xc0: {  	_ =	sfence.sel $0xFFFF  }
0xc1: {  	[dreg:$0x0] =	wrdreg $0xFFFFFFFF;
	(pc) =	sbr.abs _section_cstart, $3  }
0xc2: {  	[dreg:$0x1] =	wrdreg $0xFFFFFFFF  }
0xc3: {  	_ =	task.clear_ibuf [dreg:s8], $0x2FFFF;
	_ =	strace $0x9FFFFFFF  }
0xc4: {  	(tm) =	ssettm $0x7FFFFFFF  }
0xc5: {  	_ =	shalt  }
tec
execute0_lowered:
.L_overlay_start_1:
0x0: {  	(tag) =	ssettag $0x1  }
0x1: {  	s5 =	rddreg [dreg:$0x0]  }
0x2: {  	s6 =	rddreg [dreg:$0x1];
	s0 =	srdreg.scid  }
0x3: {  	s2 =	rddreg [dreg:$0x2];
	s1 =	stileid.u32  }
0x4: {  	s3 =	simm.s32 $0x0;
	s10 =	simm.s32 $0x8000;
	s11 =	simm.s32 $0x1800  }
0x5: {  	s12 =	simm.s32 $0x3;
	s13 =	simm.s32 $0x80;
	s14 =	simm.s32 $0x1C00  }
0x6: {  	s15 =	simm.s32 $0x3800;
	s16 =	simm.s32 $0x1C80;
	s17 =	simm.s32 $0x7800  }
0x7: {  	s18 =	simm.s32 $0x1;
	s19 =	simm.s32 $0x2;
	s4 =	sand.u32 $0x1, s0  }
0x8: {  	s20 =	simm.s32 $0x0;
	s7 =	sshll.u32 s1, $0xB;
	s8 =	sshll.u32 s4, $0xA  }
0x9: {  	[smem:$0x7FF] =	sst s3;
	s9 =	ssub.s32 $0x2, s4;
	s4 =	sor.u32 s8, s7  }
0xa: {  	s6 =	sadd.s32 $0x800, s6;
	s31 =	sshrl.u32 s9, $0x1;
	s8 =	sshrl.u32 s4, $0x3  }
0xb: {  	v0 =	vlaneseq.u32;
	_ =	strace $0x8000004A;
	s9 =	ssub.s32 s9, s31;
	s5 =	sadd.s32 s5, s8  }
0xc: {  	v47 =	vmul.u32 $0x80, v0;
	s8 =	smax.u32 s9, $0x1;
	s9 =	simm.s32 $0x400;
	s7 =	sadd.s32 $0x6000, s5  }
.LBB2_1:
0xd: {  	[tilespmem:s3], [sflag:$0x3] =	stream.strided.gather [hbm4b:s5+s9], $0x1800, s10, s9, $0x38;
	[tilespmem:$0x11800] =	vst v63  }
0xe: {  	s21 =	sand.u32 $0xFFFE, s3  }
0xf: {  	s21 =	sshrl.u32 s21, $0x1  }
0x10: {  	s21 =	smul.u32 $0x147B, s21  }
0x11: {  	[tilespmem:s11], [sflag:$0x3] =	stream.linear.gather [hbm4b:s7+s3], $0x100, $0x38;
	[tilespmem:$0x11800] =	vst v63  }
0x12: {  	s22 =	simm.s32 $0x1;
	s21 =	sshrl.u32 s21, $0x11  }
0x13: {  	s22 =	sand.u32 $0xFFFE, s22;
	s23 =	smul.u32 $0x32, s21  }
0x14: {  	s22 =	sshrl.u32 s22, $0x1  }
0x15: {  	_ =	swait.ge [sflag:s12], $0x1900;
	s22 =	smul.u32 $0x147B, s22;
	s23 =	ssub.s32 $0x0, s23  }
0x16: {  	[sflag:s12] =	ssyncset.done $0x0;
	s21 =	sshll.u32 s21, $0x4;
	s23 =	sshll.u32 s23, $0x7  }
0x17: {  	[sflag:s12] =	ssyncadd.s32 $0xFFFFE700;
	s24 =	sand.u32 $0x80, s21;
	s23 =	sand.u32 $0xFF80, s23  }
0x18: {  	s25 =	sshrl.u32 s22, $0x11;
	s21 =	sand.u32 $0x70, s21;
	s23 =	sadd.s32 s23, s24  }
0x19: {  	s22 =	simm.s32 $0x2;
	s30 =	smul.u32 $0x32, s25;
	s21 =	sor.u32 s21, s23  }
0x1a: {  	s31 =	sand.u32 $0xFFFE, s22;
	v0 =	vld [tilespmem:s21+$0x0]  }
0x1b: {  	s24 =	ssub.s32 $0x1, s30;
	s23 =	sshrl.u32 s31, $0x1  }
0x1c: {  	s25 =	sshll.u32 s25, $0x4;
	s24 =	sshll.u32 s24, $0x7;
	s23 =	smul.u32 $0x147B, s23  }
0x1d: {  	s26 =	sand.u32 $0x80, s25;
	s28 =	sand.u32 $0xFF80, s24  }
0x1e: {  	s25 =	sand.u32 $0x70, s25;
	s28 =	sadd.s32 s28, s26;
	s24 =	sshrl.u32 s23, $0x11  }
0x1f: {  	s23 =	simm.s32 $0x3;
	s25 =	sor.u32 s25, s28;
	s26 =	smul.u32 $0x32, s24;
	v0 =	vshrl.u32 v0, $0x2  }
.LBB2_2:
0x20: {  	s28 =	sand.u32 $0xFFFE, s23;
	p0 =	sne.s32 s23, $0x18F  }
0x21: {  	v1 =	vld [tilespmem:s25+$0x0];
	[tilespmem:s21+$0x1C00] =	vst v0;
	s29 =	smov.u32 s23;
	s23 =	sadd.s32 $0x1, s23;
	s21 =	smov.u32 s25  }
.Ltmp0:
0x22: {  	s25 =	sshrl.u32 s28, $0x1;
	s22 =	ssub.s32 s22, s26;
	(pc) =	sbr.rel @p0 .LBB2_2-.Ltmp0, $4  }
0x23: {  	s26 =	sshll.u32 s24, $0x4;
	s25 =	smul.u32 $0x147B, s25;
	s22 =	sshll.u32 s22, $0x7  }
0x24: {  	s28 =	sand.u32 $0x80, s26;
	s30 =	sand.u32 $0xFF80, s22;
	s22 =	smov.u32 s29  }
0x25: {  	s24 =	sshrl.u32 s25, $0x11;
	s25 =	sand.u32 $0x70, s26;
	s28 =	sadd.s32 s30, s28  }
0x26: {  	s26 =	smul.u32 $0x32, s24;
	s25 =	sor.u32 s25, s28;
	v0 =	vshrl.u32 v1, $0x2  }
0x27: {  	_ = 	snop  }
0x28: {  	s22 =	ssub.s32 s22, s26  }
0x29: {  	s23 =	sshll.u32 s24, $0x4;
	s22 =	sshll.u32 s22, $0x7  }
0x2a: {  	s24 =	sand.u32 $0x80, s23;
	s22 =	sand.u32 $0xFF80, s22  }
0x2b: {  	s23 =	sand.u32 $0x70, s23;
	s22 =	sadd.s32 s22, s24  }
0x2c: {  	v1 =	vld [tilespmem:s25+$0x0];
	[tilespmem:s21+$0x1C00] =	vst v0;
	s31 =	sor.u32 s23, s22  }
0x2d: {  	v0 =	vld [tilespmem:s31+$0x0];
	_ =	sdelay $0x3  }
0x2e: {  	v1 =	vshrl.u32 v1, $0x2  }
0x2f: {  	[tilespmem:s25+$0x1C00] =	vst v1;
	v0 =	vshrl.u32 v0, $0x2  }
0x30: {  	[tilespmem:s31+$0x1C00] =	vst v0  }
0x31: {  	[tilespmem:s15], [sflag:$0x1] =	stream.indirect.gather [hbm4b:s6+s13], $0x80, s14, s13, $0xb8;
	[tilespmem:$0x11800] =	vst v63  }
0x32: {  	s21 =	simm.s32 $0x2;
	p0 =	por $0x0, $0x0;
	s22 =	simm.s32 $0x10  }
0x33: {  	[tilespmem:s17], [sflag:$0x1] =	stream.indirect.gather [hbm4b:s6+s13], $0x80, s16, s13, $0xb8;
	[tilespmem:$0x11800] =	vst v63  }
.LBB2_4:
0x34: {  	p1 =	sgt.u32 s21, $0x31  }
0x35: {  	s23 =	smul.u32 @!p1 $0xAB, s21;
	_ =	sdelay $0x1  }
0x36: {  	s23 =	sshrl.u32 @!p1 s23, $0x9  }
0x37: {  	s23 =	sand.u32 @!p1 $0x7F, s23  }
0x38: {  	s23 =	smul.u32 @!p1 $0x3, s23;
	_ =	sdelay $0x1  }
0x39: {  	s23 =	ssub.s32 @!p1 s21, s23  }
0x3a: {  	s24 =	sshll.u32 @!p1 s21, $0x7;
	s23 =	sand.u32 @!p1 $0xFF, s23  }
0x3b: {  	s24 =	sand.u32 @!p1 $0x3FFFFF80, s24;
	s23 =	sshll.u32 @!p1 s23, $0xE  }
0x3c: {  	s25 =	simm.s32 @!p1 $0x80;
	s24 =	sadd.s32 @!p1 $0x1C00, s24;
	s23 =	sor.u32 @!p1 $0x3800, s23  }
0x3d: {  	[tilespmem:s23], [sflag:$0x1] =	stream.indirect.gather @!p1 [hbm4b:s6+s25], $0x80, s24, s25, $0xb8;
	[tilespmem:$0x11800] =	vst v63  }
0x3e: {  	s23 =	sadd.s32 $0xFFFFFFFE, s21  }
0x3f: {  	s31 =	sshll.u32 s23, $0x18  }
0x40: {  	s24 =	sshra.s32 s31, $0x18  }
0x41: {  	s24 =	smul.u32 $0x56, s24  }
0x42: {  	p1 =	slt.u32 s21, $0x4;
	_ =	swait.ge [sflag:s18], $0x4000  }
0x43: {  	[sflag:s18] =	ssyncset.done $0x0;
	s0 =	sshrl.u32 s24, $0x1F;
	s24 =	sshrl.u32 s24, $0x8  }
0x44: {  	s26 =	simm.s32 @!p1 $0x2;
	[sflag:s18] =	ssyncadd.s32 $0xFFFFC000;
	s24 =	sadd.s32 s0, s24  }
0x45: {  	_ =	swait.ge @!p1 [sflag:s26], $0x1000;
	s24 =	smul.u32 $0x3, s24  }
0x46: {  	[sflag:s26] =	ssyncset.done @!p1 $0x0  }
0x47: {  	[sflag:s26] =	ssyncadd.s32 @!p1 $0xFFFFF000;
	s24 =	ssub.s32 s23, s24  }
0x48: {  	v0 =	vld [tilespmem:s22+$0x0];
	s24 =	sshll.u32 s24, $0x18  }
0x49: {  	s24 =	sshra.s32 s24, $0x18  }
0x4a: {  	s26 =	simm.s32 $0x10;
	s24 =	sshll.u32 s24, $0x7  }
0x4b: {  	s25 =	sor.u32 s24, s26  }
0x4c: {  	v1 =	vmov s25  }
0x4d: {  	v0 =	vshll.u32 v0, $0x5;
	v1 =	vshll.u32 v1, $0x7  }
0x4e: {  	v0 =	vand.u32 $0x60, v0;
	v1 =	vor.u32 v47, v1  }
0x4f: {  	v0 =	vor.u32 v1, v0  }
0x50: {  	v1 =	vor.u32 $0x1, v0  }
0x51: {  	v2 =	vor.u32 $0x2, v0  }
0x52: {  	v3 =	vor.u32 $0x3, v0  }
0x53: {  	v4 =	vld [tilespmem:s22+$0xFFFFFFF0];
	v5 =	vor.u32 $0x4, v0  }
0x54: {  	v6 =	vor.u32 $0x5, v0;
	v48 =	vld.idx.msk [tilespmem:v0+s15+$0x0], $0xffff  }
0x55: {  	v7 =	vor.u32 $0x6, v0;
	v1 =	vld.idx.msk [tilespmem:v1+s15+$0x0], $0xffff  }
0x56: {  	v9 =	vor.u32 $0x8, v0;
	v8 =	vld.idx.msk [tilespmem:v2+s15+$0x0], $0xffff  }
0x57: {  	v10 =	vor.u32 $0x9, v0;
	v3 =	vld.idx.msk [tilespmem:v3+s15+$0x0], $0xffff  }
0x58: {  	v2 =	vor.u32 $0x7, v0;
	v5 =	vld.idx.msk [tilespmem:v5+s15+$0x0], $0xffff  }
0x59: {  	v11 =	vor.u32 $0xA, v0;
	v6 =	vld.idx.msk [tilespmem:v6+s15+$0x0], $0xffff  }
0x5a: {  	v12 =	vor.u32 $0xB, v0;
	v7 =	vld.idx.msk [tilespmem:v7+s15+$0x0], $0xffff  }
0x5b: {  	v14 =	vor.u32 $0xD, v0;
	v9 =	vld.idx.msk [tilespmem:v9+s15+$0x0], $0xffff  }
0x5c: {  	v15 =	vor.u32 $0xE, v0;
	v10 =	vld.idx.msk [tilespmem:v10+s15+$0x0], $0xffff  }
0x5d: {  	v13 =	vld.idx.msk [tilespmem:v2+s15+$0x0], $0xffff;
	v2 =	vor.u32 $0xC, v0  }
0x5e: {  	v16 =	vor.u32 $0x13, v0;
	v17 =	vld.idx.msk [tilespmem:v11+s15+$0x0], $0xffff  }
0x5f: {  	v11 =	vor.u32 $0xF, v0;
	v21 =	vld.idx.msk [tilespmem:v12+s15+$0x0], $0xffff  }
0x60: {  	v18 =	vor.u32 $0x1A, v0;
	v24 =	vld.idx.msk [tilespmem:v14+s15+$0x0], $0xffff  }
0x61: {  	v12 =	vor.u32 $0x10, v0;
	v15 =	vld.idx.msk [tilespmem:v15+s15+$0x0], $0xffff  }
0x62: {  	v23 =	vld.idx.msk [tilespmem:v2+s15+$0x0], $0xffff;
	v2 =	vor.u32 $0x11, v0  }
0x63: {  	v14 =	vor.u32 $0x12, v0;
	v31 =	vld.idx.msk [tilespmem:v16+s15+$0x0], $0xffff  }
0x64: {  	v25 =	vld.idx.msk [tilespmem:v11+s15+$0x0], $0xffff;
	v11 =	vor.u32 $0x14, v0  }
0x65: {  	v16 =	vor.u32 $0x18, v0;
	v40 =	vld.idx.msk [tilespmem:v18+s15+$0x0], $0xffff  }
0x66: {  	v26 =	vld.idx.msk [tilespmem:v12+s15+$0x0], $0xffff;
	v12 =	vor.u32 $0x15, v0  }
0x67: {  	v27 =	vld.idx.msk [tilespmem:v2+s15+$0x0], $0xffff;
	v2 =	vor.u32 $0x16, v0  }
0x68: {  	v29 =	vld.idx.msk [tilespmem:v14+s15+$0x0], $0xffff;
	v14 =	vor.u32 $0x17, v0  }
0x69: {  	v32 =	vld.idx.msk [tilespmem:v11+s15+$0x0], $0xffff;
	v11 =	vor.u32 $0x1F, v0  }
0x6a: {  	s26 =	simm.s32 $0x0;
	v19 =	vor.u32 $0x1D, v0;
	v30 =	vld.idx.msk [tilespmem:v16+s15+$0x0], $0xffff  }
0x6b: {  	s31 =	sor.u32 s24, s26;
	v16 =	vor.u32 $0x1C, v0;
	v42 =	vld.idx.msk [tilespmem:v12+s15+$0x0], $0xffff  }
0x6c: {  	v12 =	vor.u32 $0x19, v0;
	v43 =	vld.idx.msk [tilespmem:v2+s15+$0x0], $0xffff;
	v2 =	vmov s31  }
0x6d: {  	v4 =	vshll.u32 v4, $0x5;
	v28 =	vld.idx.msk [tilespmem:v14+s15+$0x0], $0xffff;
	v14 =	vor.u32 $0x1B, v0;
	v2 =	vshll.u32 v2, $0x7  }
0x6e: {  	v4 =	vand.u32 $0x60, v4;
	v11 =	vld.idx.msk [tilespmem:v11+s15+$0x0], $0xffff;
	v0 =	vor.u32 $0x1E, v0;
	v2 =	vor.u32 v47, v2  }
0x6f: {  	s25 =	simm.s32 $0x1;
	v33 =	vld.idx.msk [tilespmem:v19+s15+$0x0], $0xffff;
	v2 =	vor.u32 v2, v4  }
0x70: {  	s25 =	simm.s32 @!p0 $0x0;
	v35 =	vld.idx.msk [tilespmem:v16+s15+$0x0], $0xffff;
	v4 =	vor.u32 $0x1, v2  }
0x71: {  	s25 =	sshll.u32 s25, $0xC;
	v39 =	vld.idx.msk [tilespmem:v12+s15+$0x0], $0xffff;
	v12 =	vor.u32 $0x2, v2  }
0x72: {  	s25 =	sor.u32 $0x10000, s25;
	v38 =	vld.idx.msk [tilespmem:v14+s15+$0x0], $0xffff;
	v14 =	vor.u32 $0x3, v2  }
0x73: {  	v34 =	vld.idx.msk [tilespmem:v0+s15+$0x0], $0xffff;
	[tilespmem:s25+$0x790] =	vst v11;
	v16 =	vor.u32 $0x4, v2  }
0x74: {  	[tilespmem:s25+$0xFFFFF890] =	vst v1;
	v0 =	vor.u32 $0x5, v2  }
0x75: {  	[tilespmem:s25+$0xFFFFF910] =	vst v8;
	v11 =	vor.u32 $0x6, v2;
	v22 =	vld.idx.msk [tilespmem:v4+s15+$0x0], $0xffff  }
0x76: {  	[tilespmem:s25+$0xFFFFF990] =	vst v3;
	v1 =	vor.u32 $0x7, v2;
	v20 =	vld.idx.msk [tilespmem:v12+s15+$0x0], $0xffff  }
0x77: {  	[tilespmem:s25+$0xFFFFFA10] =	vst v5;
	v3 =	vor.u32 $0x9, v2;
	v19 =	vld.idx.msk [tilespmem:v14+s15+$0x0], $0xffff  }
0x78: {  	[tilespmem:s25+$0xFFFFFB10] =	vst v7;
	v5 =	vor.u32 $0xA, v2;
	v18 =	vld.idx.msk [tilespmem:v16+s15+$0x0], $0xffff  }
0x79: {  	[tilespmem:s25+$0xFFFFFB90] =	vst v13;
	v7 =	vor.u32 $0xC, v2;
	v16 =	vld.idx.msk [tilespmem:v0+s15+$0x0], $0xffff  }
0x7a: {  	[tilespmem:s25+$0xFFFFFC10] =	vst v9;
	v13 =	vor.u32 $0xE, v2;
	v14 =	vld.idx.msk [tilespmem:v11+s15+$0x0], $0xffff  }
0x7b: {  	[tilespmem:s25+$0xFFFFFC90] =	vst v10;
	v10 =	vor.u32 $0xF, v2;
	v12 =	vld.idx.msk [tilespmem:v1+s15+$0x0], $0xffff  }
0x7c: {  	[tilespmem:s25+$0xFFFFFD10] =	vst v17;
	v17 =	vor.u32 $0x10, v2;
	v9 =	vld.idx.msk [tilespmem:v3+s15+$0x0], $0xffff  }
0x7d: {  	[tilespmem:s25+$0xFFFFFD90] =	vst v21;
	v21 =	vor.u32 $0x12, v2;
	v8 =	vld.idx.msk [tilespmem:v5+s15+$0x0], $0xffff  }
0x7e: {  	[tilespmem:s25+$0xFFFFFE10] =	vst v23;
	v23 =	vor.u32 $0x14, v2;
	v44 =	vld.idx.msk [tilespmem:v7+s15+$0x0], $0xffff  }
0x7f: {  	v0 =	vor.u32 $0xB, v2;
	v46 =	vld.idx.msk [tilespmem:v13+s15+$0x0], $0xffff  }
0x80: {  	[tilespmem:s25+$0xFFFFFE90] =	vst v24;
	v1 =	vor.u32 $0xD, v2;
	v7 =	vld.idx.msk [tilespmem:v10+s15+$0x0], $0xffff  }
0x81: {  	s28 =	sand.u32 $0x80, s23;
	[tilespmem:s25+$0xFFFFFF10] =	vst v15;
	v24 =	vor.u32 $0x15, v2;
	v10 =	vld.idx.msk [tilespmem:v17+s15+$0x0], $0xffff  }
0x82: {  	s28 =	sshrl.u32 s28, $0x7;
	[tilespmem:s25+$0x10] =	vst v26;
	v26 =	vor.u32 $0x16, v2;
	v15 =	vld.idx.msk [tilespmem:v21+s15+$0x0], $0xffff  }
0x83: {  	s28 =	sadd.s32 s28, s23;
	[tilespmem:s25+$0xFFFFFA90] =	vst v6;
	v4 =	vor.u32 $0x8, v2;
	v21 =	vld.idx.msk [tilespmem:v23+s15+$0x0], $0xffff  }
0x84: {  	s28 =	sand.u32 $0xFE, s28;
	[tilespmem:s25+$0xFFFFFF90] =	vst v25;
	v6 =	vld.idx.msk [tilespmem:v0+s15+$0x0], $0xffff;
	v0 =	vor.u32 $0x11, v2  }
0x85: {  	s28 =	ssub.s32 s23, s28;
	[tilespmem:s25+$0x90] =	vst v27;
	v45 =	vld.idx.msk [tilespmem:v1+s15+$0x0], $0xffff;
	v1 =	vor.u32 $0x13, v2  }
0x86: {  	s28 =	sshll.u32 s28, $0x18;
	[tilespmem:s25+$0x110] =	vst v29;
	v23 =	vld.idx.msk [tilespmem:v24+s15+$0x0], $0xffff  }
0x87: {  	s28 =	sshra.s32 s28, $0x18;
	[tilespmem:s25+$0x190] =	vst v31;
	v26 =	vld.idx.msk [tilespmem:v26+s15+$0x0], $0xffff  }
0x88: {  	s28 =	sshll.u32 s28, $0xE;
	[tilespmem:s25+$0x210] =	vst v32;
	v41 =	vor.u32 $0x17, v2;
	v37 =	vor.u32 $0x18, v2;
	v36 =	vor.u32 $0x19, v2;
	v11 =	vld.idx.msk [tilespmem:v4+s15+$0x0], $0xffff  }
0x89: {  	s28 =	sshra.s32 s28, $0x2;
	[tilespmem:s25+$0x290] =	vst v42;
	v32 =	vor.u32 $0x1A, v2;
	v31 =	vor.u32 $0x1B, v2;
	v27 =	vor.u32 $0x1C, v2;
	v13 =	vld.idx.msk [tilespmem:v0+s15+$0x0], $0xffff  }
0x8a: {  	s29 =	simm.s32 $0x0;
	s30 =	sadd.s32 $0x20, s22;
	s28 =	sadd.s32 $0xF800, s28;
	v29 =	vor.u32 $0x1D, v2;
	v25 =	vor.u32 $0x1F, v2;
	[tilespmem:s25+$0x310] =	vst v43;
	v24 =	vor.u32 $0x1E, v2;
	v17 =	vld.idx.msk [tilespmem:v1+s15+$0x0], $0xffff  }
.LBB2_5:
0x8b: {  	v0 =	vld [tilespmem:s30+$0x0]  }
0x8c: {  	v1 =	vld [tilespmem:s30+$0xFFFFFFF0]  }
0x8d: {  	[tilespmem:s25+$0x390] =	vst v28;
	v43 =	vld.idx.msk [tilespmem:v41+s15+$0x0], $0xffff  }
0x8e: {  	[tilespmem:s25+$0x410] =	vst v30;
	v28 =	vld.idx.msk [tilespmem:v37+s15+$0x0], $0xffff  }
0x8f: {  	[tilespmem:s25+$0x490] =	vst v39;
	v42 =	vld.idx.msk [tilespmem:v32+s15+$0x0], $0xffff  }
0x90: {  	[tilespmem:s25+$0x510] =	vst v40;
	v39 =	vld.idx.msk [tilespmem:v31+s15+$0x0], $0xffff  }
0x91: {  	s26 =	sadd.s32 $0x20, s26;
	[tilespmem:s25+$0x590] =	vst v38;
	v38 =	vld.idx.msk [tilespmem:v27+s15+$0x0], $0xffff  }
0x92: {  	[tilespmem:s25+$0x610] =	vst v35;
	v35 =	vld.idx.msk [tilespmem:v29+s15+$0x0], $0xffff;
	s31 =	sor.u32 s24, s26  }
0x93: {  	[tilespmem:s25+$0x710] =	vst v34;
	v34 =	vld.idx.msk [tilespmem:v24+s15+$0x0], $0xffff;
	v30 =	vmov s31  }
0x94: {  	[tilespmem:s25+$0x690] =	vst v33;
	v33 =	vld.idx.msk [tilespmem:v25+s15+$0x0], $0xffff;
	v59 =	vshll.u32 v30, $0x7;
	v1 =	vshll.u32 v1, $0x5  }
0x95: {  	s0 =	sadd.s32 $0x10, s26;
	v30 =	vld.idx.msk [tilespmem:v36+s15+$0x0], $0xffff;
	v61 =	vor.u32 v47, v59;
	[tilespmem:s25+$0xFFFFF810] =	vst v48;
	v1 =	vand.u32 $0x60, v1  }
0x96: {  	s0 =	sor.u32 s24, s0;
	v27 =	vor.u32 v61, v1;
	v1 =	vld.idx.msk [tilespmem:v2+s15+$0x0], $0xffff;
	[tilespmem:s25+$0xFFFFF880] =	vst v22  }
0x97: {  	v60 =	vmov s0;
	[tilespmem:s25+$0xFFFFF900] =	vst v20  }
0x98: {  	v62 =	vshll.u32 v60, $0x7;
	v0 =	vshll.u32 v0, $0x5;
	[tilespmem:s25+$0xFFFFF980] =	vst v19  }
0x99: {  	v63 =	vor.u32 v47, v62;
	v0 =	vand.u32 $0x60, v0;
	[tilespmem:s25+$0xFFFFFA00] =	vst v18  }
0x9a: {  	v40 =	vor.u32 v63, v0;
	[tilespmem:s25+$0xFFFFFA80] =	vst v16  }
0x9b: {  	[tilespmem:s25+$0xFFFFFB00] =	vst v14  }
0x9c: {  	[tilespmem:s25+$0xFFFFFB80] =	vst v12;
	v31 =	vor.u32 $0x1, v40;
	v0 =	vor.u32 $0x4, v27  }
0x9d: {  	v29 =	vor.u32 $0x2, v40;
	v2 =	vmov v27;
	[tilespmem:$0x1FF90] =	vst v0;
	v0 =	vor.u32 $0x6, v27  }
0x9e: {  	v24 =	vor.u32 $0x3, v40;
	[tilespmem:$0x1FFA0] =	vst v0;
	v0 =	vor.u32 $0x8, v2  }
0x9f: {  	v25 =	vor.u32 $0x4, v40;
	[tilespmem:$0x1FFB0] =	vst v0;
	v0 =	vld.idx.msk [tilespmem:v40+s15+$0x0], $0xffff  }
0xa0: {  	v22 =	vor.u32 $0x5, v40;
	[tilespmem:s25+$0xFFFFF800] =	vst v1;
	v1 =	vld [tilespmem:$0x1FF90]  }
0xa1: {  	[tilespmem:s25+$0xFFFFFC00] =	vst v11;
	v3 =	vor.u32 $0xC, v40;
	v20 =	vld.idx.msk [tilespmem:v31+s15+$0x0], $0xffff  }
0xa2: {  	[tilespmem:s25+$0xFFFFFC80] =	vst v9;
	v4 =	vor.u32 $0xD, v40;
	v19 =	vld.idx.msk [tilespmem:v29+s15+$0x0], $0xffff  }
0xa3: {  	[tilespmem:s25+$0xFFFFFD00] =	vst v8;
	v5 =	vor.u32 $0xE, v40;
	v18 =	vld.idx.msk [tilespmem:v24+s15+$0x0], $0xffff  }
0xa4: {  	[tilespmem:s25+$0xFFFFFE00] =	vst v44;
	v44 =	vor.u32 $0x10, v40;
	v16 =	vld.idx.msk [tilespmem:v25+s15+$0x0], $0xffff  }
0xa5: {  	[tilespmem:s25+$0xFFFFFE80] =	vst v45;
	v45 =	vor.u32 $0x11, v40;
	v14 =	vld.idx.msk [tilespmem:v22+s15+$0x0], $0xffff  }
0xa6: {  	[tilespmem:s25+$0xFFFFFF00] =	vst v46;
	v46 =	vor.u32 $0x12, v40;
	v3 =	vld.idx.msk [tilespmem:v3+s15+$0x0], $0xffff  }
0xa7: {  	[tilespmem:s25+$0xFFFFFF80] =	vst v7;
	v7 =	vor.u32 $0x13, v40;
	v4 =	vld.idx.msk [tilespmem:v4+s15+$0x0], $0xffff  }
0xa8: {  	[tilespmem:s25+$0x500] =	vst v42;
	v63 =	vor.u32 $0x1, v27;
	v52 =	vor.u32 $0x2, v27;
	v42 =	vor.u32 $0x1D, v40;
	v5 =	vld.idx.msk [tilespmem:v5+s15+$0x0], $0xffff  }
0xa9: {  	[tilespmem:s25+$0x80] =	vst v13;
	v54 =	vor.u32 $0x3, v27;
	v53 =	vor.u32 $0x5, v27;
	v27 =	vor.u32 $0x6, v40;
	v13 =	vld.idx.msk [tilespmem:v44+s15+$0x0], $0xffff  }
0xaa: {  	[tilespmem:s25+$0x100] =	vst v15;
	v29 =	vor.u32 $0x7, v40;
	v15 =	vld.idx.msk [tilespmem:v45+s15+$0x0], $0xffff  }
0xab: {  	[tilespmem:s25+$0x180] =	vst v17;
	v22 =	vor.u32 $0xA, v40;
	v17 =	vld.idx.msk [tilespmem:v46+s15+$0x0], $0xffff  }
0xac: {  	[tilespmem:s25+$0x200] =	vst v21;
	v24 =	vor.u32 $0x8, v40;
	v21 =	vld.idx.msk [tilespmem:v7+s15+$0x0], $0xffff  }
0xad: {  	[tilespmem:s25+$0x780] =	vst v33;
	v25 =	vor.u32 $0x9, v40;
	v33 =	vld.idx.msk [tilespmem:v42+s15+$0x0], $0xffff  }
0xae: {  	[tilespmem:s25+$0xFFFFFD80] =	vst v6;
	v44 =	vor.u32 $0x15, v40;
	v12 =	vld.idx.msk [tilespmem:v27+s15+$0x0], $0xffff  }
0xaf: {  	[tilespmem:s25+$0x0] =	vst v10;
	v46 =	vor.u32 $0x17, v40;
	v11 =	vld.idx.msk [tilespmem:v29+s15+$0x0], $0xffff  }
0xb0: {  	[tilespmem:s25+$0x300] =	vst v26;
	v6 =	vld.idx.msk [tilespmem:v22+s15+$0x0], $0xffff;
	v22 =	vor.u32 $0xF, v40  }
0xb1: {  	[tilespmem:s25+$0x380] =	vst v43;
	v7 =	vor.u32 $0x18, v40;
	v9 =	vld.idx.msk [tilespmem:v24+s15+$0x0], $0xffff  }
0xb2: {  	[tilespmem:s25+$0x400] =	vst v28;
	v45 =	vor.u32 $0x16, v40;
	v8 =	vld.idx.msk [tilespmem:v25+s15+$0x0], $0xffff  }
0xb3: {  	[tilespmem:s25+$0x480] =	vst v30;
	v26 =	vld.idx.msk [tilespmem:v44+s15+$0x0], $0xffff;
	v44 =	vor.u32 $0x19, v40  }
0xb4: {  	[tilespmem:$0x1FFF0] =	vst v0;
	v0 =	vor.u32 $0xA, v2;
	v28 =	vld.idx.msk [tilespmem:v46+s15+$0x0], $0xffff;
	v46 =	vor.u32 $0x1B, v40  }
0xb5: {  	[tilespmem:$0x1FFC0] =	vst v0;
	v0 =	vor.u32 $0xC, v2;
	v10 =	vld.idx.msk [tilespmem:v22+s15+$0x0], $0xffff;
	v22 =	vor.u32 $0x14, v40  }
0xb6: {  	v30 =	vld.idx.msk [tilespmem:v7+s15+$0x0], $0xffff;
	v7 =	vor.u32 $0x1C, v40;
	[tilespmem:$0x1FFD0] =	vst v0;
	v0 =	vor.u32 $0xE, v2  }
0xb7: {  	v43 =	vld.idx.msk [tilespmem:v45+s15+$0x0], $0xffff;
	[tilespmem:$0x1FFE0] =	vst v0;
	v0 =	vor.u32 $0xB, v40  }
0xb8: {  	[tilespmem:s25+$0x580] =	vst v39;
	v45 =	vor.u32 $0x1A, v40;
	v39 =	vld.idx.msk [tilespmem:v44+s15+$0x0], $0xffff  }
0xb9: {  	[tilespmem:s25+$0x600] =	vst v38;
	v44 =	vor.u32 $0x1E, v40;
	v38 =	vld.idx.msk [tilespmem:v46+s15+$0x0], $0xffff  }
0xba: {  	[tilespmem:s25+$0x280] =	vst v23;
	v23 =	vld.idx.msk [tilespmem:v22+s15+$0x0], $0xffff;
	v22 =	vor.u32 $0x1F, v40  }
0xbb: {  	[tilespmem:s25+$0x680] =	vst v35;
	v35 =	vld.idx.msk [tilespmem:v7+s15+$0x0], $0xffff  }
0xbc: {  	v0 =	vld.idx.msk [tilespmem:v0+s15+$0x0], $0xffff  }
0xbd: {  	v59 =	vor.u32 $0xF, v2;
	v40 =	vld.idx.msk [tilespmem:v45+s15+$0x0], $0xffff  }
0xbe: {  	[tilespmem:s25+$0x700] =	vst v34;
	v58 =	vor.u32 $0xD, v2;
	v34 =	vld.idx.msk [tilespmem:v44+s15+$0x0], $0xffff  }
0xbf: {  	s25 =	sadd.s32 $0x20, s25;
	v22 =	vld.idx.msk [tilespmem:v22+s15+$0x0], $0xffff  }
0xc0: {  	[tilespmem:s25+$0xFFFFF990] =	vst v18;
	v18 =	vld.idx.msk [tilespmem:v1+s15+$0x0], $0xffff  }
0xc1: {  	v1 =	vld [tilespmem:$0x1FFA0]  }
0xc2: {  	v55 =	vor.u32 $0x7, v2;
	v7 =	vld.idx.msk [tilespmem:v59+s15+$0x0], $0xffff  }
0xc3: {  	v45 =	vld.idx.msk [tilespmem:v58+s15+$0x0], $0xffff  }
0xc4: {  	[tilespmem:s25+$0xFFFFF890] =	vst v20;
	v20 =	vld.idx.msk [tilespmem:v52+s15+$0x0], $0xffff  }
0xc5: {  	[tilespmem:s25+$0xFFFFF910] =	vst v19;
	v19 =	vld.idx.msk [tilespmem:v54+s15+$0x0], $0xffff  }
0xc6: {  	v56 =	vor.u32 $0x9, v2;
	[tilespmem:s25+$0xFFFFFA10] =	vst v16;
	v16 =	vld.idx.msk [tilespmem:v53+s15+$0x0], $0xffff  }
0xc7: {  	v57 =	vor.u32 $0xB, v2;
	[tilespmem:s25+$0xFFFFFB10] =	vst v12;
	v12 =	vld.idx.msk [tilespmem:v55+s15+$0x0], $0xffff  }
0xc8: {  	v48 =	vor.u32 $0x10, v2;
	[tilespmem:s25+$0xFFFFFD90] =	vst v0;
	v0 =	vld [tilespmem:$0x1FFD0]  }
0xc9: {  	[tilespmem:s25+$0xFFFFFA90] =	vst v14;
	v14 =	vld.idx.msk [tilespmem:v1+s15+$0x0], $0xffff  }
0xca: {  	v60 =	vor.u32 $0x11, v2;
	v1 =	vld [tilespmem:$0x1FFB0]  }
0xcb: {  	[tilespmem:s25+$0xFFFFFC10] =	vst v9;
	v9 =	vld.idx.msk [tilespmem:v56+s15+$0x0], $0xffff  }
0xcc: {  	[tilespmem:s25+$0xFFFFFD10] =	vst v6;
	v6 =	vld.idx.msk [tilespmem:v57+s15+$0x0], $0xffff  }
0xcd: {  	[tilespmem:s25+$0xFFFFFF90] =	vst v10;
	v10 =	vld.idx.msk [tilespmem:v48+s15+$0x0], $0xffff  }
0xce: {  	v48 =	vld [tilespmem:$0x1FFF0]  }
0xcf: {  	v49 =	vor.u32 $0x12, v2;
	[tilespmem:s25+$0x10] =	vst v13;
	v13 =	vld.idx.msk [tilespmem:v60+s15+$0x0], $0xffff  }
0xd0: {  	v61 =	vor.u32 $0x13, v2;
	[tilespmem:s25+$0xFFFFFB90] =	vst v11;
	v44 =	vld.idx.msk [tilespmem:v0+s15+$0x0], $0xffff  }
0xd1: {  	v50 =	vor.u32 $0x14, v2;
	[tilespmem:s25+$0xFFFFFC90] =	vst v8;
	v0 =	vld [tilespmem:$0x1FFE0]  }
0xd2: {  	v62 =	vor.u32 $0x15, v2;
	[tilespmem:s25+$0xFFFFFE10] =	vst v3;
	v11 =	vld.idx.msk [tilespmem:v1+s15+$0x0], $0xffff  }
0xd3: {  	v51 =	vor.u32 $0x16, v2;
	[tilespmem:s25+$0xFFFFFE90] =	vst v4;
	v1 =	vld [tilespmem:$0x1FFC0]  }
0xd4: {  	[tilespmem:s25+$0x90] =	vst v15;
	v15 =	vld.idx.msk [tilespmem:v49+s15+$0x0], $0xffff  }
0xd5: {  	s29 =	sadd.s32 $0x2, s29;
	[tilespmem:s25+$0x110] =	vst v17;
	v17 =	vld.idx.msk [tilespmem:v61+s15+$0x0], $0xffff  }
0xd6: {  	p1 =	slt.u32 s29, $0x6;
	[tilespmem:s25+$0x190] =	vst v21;
	v21 =	vld.idx.msk [tilespmem:v50+s15+$0x0], $0xffff  }
.Ltmp1:
0xd7: {  	[tilespmem:s25+$0x210] =	vst v23;
	v23 =	vld.idx.msk [tilespmem:v62+s15+$0x0], $0xffff;
	(pc) =	sbr.rel @p1 .LBB2_5-.Ltmp1, $4  }
0xd8: {  	[tilespmem:s25+$0x290] =	vst v26;
	v26 =	vld.idx.msk [tilespmem:v51+s15+$0x0], $0xffff  }
0xd9: {  	v41 =	vor.u32 $0x17, v2;
	v37 =	vor.u32 $0x18, v2;
	v36 =	vor.u32 $0x19, v2;
	[tilespmem:s25+$0x790] =	vst v22;
	v22 =	vld.idx.msk [tilespmem:v63+s15+$0x0], $0xffff  }
0xda: {  	v32 =	vor.u32 $0x1A, v2;
	v31 =	vor.u32 $0x1B, v2;
	v27 =	vor.u32 $0x1C, v2;
	[tilespmem:s25+$0xFFFFFF10] =	vst v5;
	v46 =	vld.idx.msk [tilespmem:v0+s15+$0x0], $0xffff  }
0xdb: {  	s30 =	sadd.s32 $0x20, s30;
	v29 =	vor.u32 $0x1D, v2;
	v24 =	vor.u32 $0x1E, v2;
	v25 =	vor.u32 $0x1F, v2;
	[tilespmem:s25+$0x310] =	vst v43;
	v8 =	vld.idx.msk [tilespmem:v1+s15+$0x0], $0xffff  }
0xdc: {  	_ =	sdelay $0x3  }
0xdd: {  	v0 =	vld.idx.msk [tilespmem:v41+s15+$0x0], $0xffff;
	[tilespmem:s25+$0x390] =	vst v28  }
0xde: {  	v1 =	vld.idx.msk [tilespmem:v37+s15+$0x0], $0xffff;
	[tilespmem:s25+$0x410] =	vst v30  }
0xdf: {  	v3 =	vld.idx.msk [tilespmem:v36+s15+$0x0], $0xffff;
	[tilespmem:s25+$0x490] =	vst v39  }
0xe0: {  	v4 =	vld.idx.msk [tilespmem:v32+s15+$0x0], $0xffff;
	[tilespmem:s25+$0x510] =	vst v40  }
0xe1: {  	v5 =	vld.idx.msk [tilespmem:v31+s15+$0x0], $0xffff;
	[tilespmem:s25+$0x590] =	vst v38  }
0xe2: {  	v27 =	vld.idx.msk [tilespmem:v27+s15+$0x0], $0xffff;
	[tilespmem:s25+$0x610] =	vst v35  }
0xe3: {  	v63 =	vld.idx.msk [tilespmem:v29+s15+$0x0], $0xffff;
	[tilespmem:s25+$0x690] =	vst v33  }
0xe4: {  	v24 =	vld.idx.msk [tilespmem:v24+s15+$0x0], $0xffff;
	[tilespmem:s25+$0x710] =	vst v34  }
0xe5: {  	v25 =	vld.idx.msk [tilespmem:v25+s15+$0x0], $0xffff;
	[tilespmem:s25+$0xFFFFF810] =	vst v48  }
0xe6: {  	v2 =	vld.idx.msk [tilespmem:v2+s15+$0x0], $0xffff;
	[tilespmem:s25+$0xFFFFF900] =	vst v20  }
0xe7: {  	[tilespmem:s25+$0xFFFFF980] =	vst v19  }
0xe8: {  	[tilespmem:s25+$0xFFFFFA00] =	vst v18  }
0xe9: {  	[tilespmem:s25+$0xFFFFFA80] =	vst v16  }
0xea: {  	[tilespmem:s25+$0xFFFFFB00] =	vst v14  }
0xeb: {  	[tilespmem:s25+$0xFFFFFB80] =	vst v12  }
0xec: {  	[tilespmem:s25+$0xFFFFFC00] =	vst v11  }
0xed: {  	[tilespmem:s25+$0xFFFFFC80] =	vst v9  }
0xee: {  	[tilespmem:s25+$0xFFFFFD80] =	vst v6  }
0xef: {  	[tilespmem:s25+$0xFFFFFE00] =	vst v44  }
0xf0: {  	[tilespmem:s25+$0xFFFFFE80] =	vst v45  }
0xf1: {  	[tilespmem:s25+$0xFFFFFF80] =	vst v7  }
0xf2: {  	[tilespmem:s25+$0x0] =	vst v10  }
0xf3: {  	[tilespmem:s25+$0x80] =	vst v13  }
0xf4: {  	[tilespmem:s25+$0x100] =	vst v15  }
0xf5: {  	[tilespmem:s25+$0x180] =	vst v17  }
0xf6: {  	[tilespmem:s25+$0x200] =	vst v21  }
0xf7: {  	[tilespmem:s25+$0x280] =	vst v23  }
0xf8: {  	[tilespmem:s25+$0x300] =	vst v26  }
0xf9: {  	[tilespmem:s25+$0xFFFFF880] =	vst v22  }
0xfa: {  	[tilespmem:s25+$0xFFFFFF00] =	vst v46  }
0xfb: {  	[tilespmem:s25+$0xFFFFFD00] =	vst v8  }
0xfc: {  	[tilespmem:s25+$0x380] =	vst v0  }
0xfd: {  	[tilespmem:s25+$0x400] =	vst v1  }
0xfe: {  	[tilespmem:s25+$0x480] =	vst v3  }
0xff: {  	[tilespmem:s25+$0x500] =	vst v4  }
0x100: {  	s21 =	sadd.s32 $0x1, s21;
	[tilespmem:s25+$0x580] =	vst v5  }
0x101: {  	p1 =	sne.s32 s21, $0x34;
	[tilespmem:s25+$0x600] =	vst v27  }
.Ltmp2:
0x102: {  	s0 =	sshll.u32 s23, $0x11;
	[tilespmem:s25+$0x680] =	vst v63;
	(pc) =	sbr.rel @p1 .LBB2_4-.Ltmp2, $4  }
0x103: {  	s0 =	sor.u32 s4, s0;
	[tilespmem:s25+$0x700] =	vst v24  }
0x104: {  	s0 =	sshrl.u32 s0, $0x3;
	[tilespmem:s25+$0x780] =	vst v25  }
0x105: {  	s22 =	sadd.s32 $0x80, s22;
	p0 =	por !p0, !p0;
	s0 =	sadd.s32 s2, s0;
	[tilespmem:s25+$0xFFFFF800] =	vst v2  }
0x106: {  	[hbm4b:s0+s9] =	stream.strided.scatter [tilespmem:s28], [sflag:$0x2], $0x1000, s10, s9, $0x38;
	[tilespmem:$0x11800] =	vst v63  }
0x107: {  	s20 =	sadd.s32 $0x1, s20  }
0x108: {  	_ =	swait.ge [sflag:s19], $0x1000;
	p0 =	sne.s32 s20, s8  }
.Ltmp3:
0x109: {  	[sflag:s19] =	ssyncset.done $0x0;
	(pc) =	sbr.rel @p0 .LBB2_1-.Ltmp3, $4  }
0x10a: {  	[sflag:s19] =	ssyncadd.s32 $0xFFFFF000  }
0x10b: {  	_ =	swait.ge [sflag:s19], $0x1000  }
0x10c: {  	[sflag:s19] =	ssyncset.done $0x0  }
0x10d: {  	[sflag:s19] =	ssyncadd.s32 $0xFFFFF000  }
0x10e: {  	_ =	sfence.sel $0x180000  }
0x10f: {  	[bflag:$0x0] =	sbarrier.arrive $0xFFFF  }
0x110: {  	_ =	strace $0x9000004A  }
0x111: {  	[bflag:$0x2] =	sbarrier.arrive $0xFFFF  }
0x112: {  	p0 =	sne.s32 s1, $0x0;
	s0 =	rddreg [dreg:$0x3]  }
0x113: {  	s0 =	sadd.s32 @!p0 $0x100000, s0  }
0x114: {  	[sflag:s0] =	ssyncadd.tile.s32 @!p0 $0x1;
	_ =	shalt  }
.Lfunc_end2:
_tile_overlayer_lowered:
.L_overlay_start_2:
0x115: {  	(tag) =	ssettag $0x2  }
0x116: {  	s0 =	rddreg [dreg:$0x0];
	s2 =	stileid.u32  }
0x117: {  	s1 =	rddreg [dreg:$0x1];
	p0 =	sne.s32 s2, $0x0  }
0x118: {  	s3 =	rddreg [dreg:$0x2];
	[bflag:$0x3] =	sbarrier.arrive $0xFFFF;
	s2 =	simm.s32 @!p0 $0x1C03  }
0x119: {  	[timem:s3], [sflag:s2] =	dma.local @!p0 [hbm:s0], s1  }
0x11a: {  	s0 =	simm.s32 @!p0 $0x3  }
0x11b: {  	_ =	swait.ge @!p0 [sflag:s0], s1  }
0x11c: {  	s1 =	ssub.s32 @!p0 $0x0, s1;
	[sflag:s0] =	ssyncset.done @!p0 $0x0  }
0x11d: {  	[sflag:s0] =	ssyncadd.s32 @!p0 s1  }
0x11e: {  	[bflag:$0x3] =	sbarrier.arrive $0xFFFF  }
0x11f: {  	_ =	shalt  }

</sc_bundles>
